<compile_context>
chip_gen: v7x
topology: tpu7x:2x2x1
jax: 0.10.2.dev20260603
libtpu: 0.0.44.dev20260713+nightly
codegen_flags: <defaults>
</compile_context>

<pallas_src>
import functools

import jax
import jax.numpy as jnp
from jax import lax
from jax.experimental import pallas as pl
from jax.experimental.pallas import tpu as pltpu
from jax.experimental.pallas import tpu_sc as plsc

NC = 2
NS = 16
NW = NC * NS

D = 8
CHUNK = 4000
CHUNK_G = 4000


def _mesh():
    return plsc.VectorSubcoreMesh(
        core_axis_name="c", subcore_axis_name="s", num_cores=NC)


_SC_PARAMS = pltpu.CompilerParams(use_tc_tiling_on_sc=False)


def _stripe_bounds(n_nodes):
    body = (n_nodes // NS) // 8 * 8
    tail = n_nodes - NS * body
    return body, tail


def _zero_acc(n_nodes, s, zeros_hbm, acc):
    body, tail = _stripe_bounds(n_nodes)
    pltpu.sync_copy(zeros_hbm.at[pl.ds(0, body)], acc.at[pl.ds(s * body, body)])
    if tail:
        @pl.when(s == NS - 1)
        def _():
            pltpu.sync_copy(zeros_hbm.at[pl.ds(0, tail)],
                            acc.at[pl.ds(NS * body, tail)])


def _striped_spmem_copy(n_nodes, s, src_at, dst_at):
    body, tail = _stripe_bounds(n_nodes)
    pltpu.sync_copy(src_at(pl.ds(s * body, body)), dst_at(pl.ds(s * body, body)))
    if tail:
        @pl.when(s == NS - 1)
        def _():
            pltpu.sync_copy(src_at(pl.ds(NS * body, tail)),
                            dst_at(pl.ds(NS * body, tail)))


def _deg_body(n_nodes, n_edges, edge_hbm, vsrc_hbm, vdst_hbm,
              zeros_hbm, out_hbm, i0, i1, vsrc_v, vdst_v, acc, ss0, ss1):
    per_w = n_edges // NW
    n_chunks = per_w // CHUNK
    c = lax.axis_index("c")
    s = lax.axis_index("s")
    _zero_acc(n_nodes, s, zeros_hbm, acc)
    pltpu.sync_copy(vsrc_hbm, vsrc_v)
    pltpu.sync_copy(vdst_hbm, vdst_v)
    plsc.subcore_barrier()

    base = (c * NS + s) * per_w

    pltpu.sync_copy(edge_hbm.at[0, pl.ds(base, CHUNK)], i0)

    def outer(j, carry):
        pltpu.async_copy(vsrc_v, acc.at[i0], ss0, add=True)

        @pl.when(j > 0)
        def _():
            pltpu.make_async_copy(vdst_v, acc.at[i1], ss1).wait()
        pltpu.sync_copy(edge_hbm.at[1, pl.ds(base + j * CHUNK, CHUNK)], i1)

        pltpu.async_copy(vdst_v, acc.at[i1], ss1, add=True)

        @pl.when(j + 1 < n_chunks)
        def _():
            pltpu.make_async_copy(vsrc_v, acc.at[i0], ss0).wait()
            pltpu.sync_copy(edge_hbm.at[0, pl.ds(base + (j + 1) * CHUNK, CHUNK)],
                            i0)
        return carry

    lax.fori_loop(0, n_chunks, outer, 0)
    pltpu.make_async_copy(vsrc_v, acc.at[i0], ss0).wait()
    pltpu.make_async_copy(vdst_v, acc.at[i1], ss1).wait()
    plsc.subcore_barrier()
    _striped_spmem_copy(n_nodes, s, lambda sl: acc.at[sl],
                        lambda sl: out_hbm.at[c, sl])


def _make_deg_kernel(n_nodes, n_edges):
    return pl.kernel(
        functools.partial(_deg_body, n_nodes, n_edges),
        out_type=jax.ShapeDtypeStruct((NC, n_nodes, D), jnp.float32),
        mesh=_mesh(),
        compiler_params=_SC_PARAMS,
        scratch_types=[
            pltpu.VMEM((CHUNK,), jnp.int32),
            pltpu.VMEM((CHUNK,), jnp.int32),
            pltpu.VMEM((CHUNK, D), jnp.float32),
            pltpu.VMEM((CHUNK, D), jnp.float32),
            pltpu.VMEM_SHARED((n_nodes, D), jnp.float32),
            pltpu.SemaphoreType.DMA,
            pltpu.SemaphoreType.DMA,
        ],
    )


def _agg_body(n_nodes, n_edges, table_hbm, edge_hbm, zeros_hbm,
              out_hbm, is0, is1, id0, id1, r0, r1, acc,
              sg0, sg1, ss0, ss1):
    per_w = n_edges // NW
    n_chunks = per_w // CHUNK_G
    c = lax.axis_index("c")
    s = lax.axis_index("s")
    _zero_acc(n_nodes, s, zeros_hbm, acc)
    plsc.subcore_barrier()

    base = (c * NS + s) * per_w
    IS = (is0, is1)
    ID = (id0, id1)
    R = (r0, r1)
    SG = (sg0, sg1)
    SS = (ss0, ss1)

    pltpu.sync_copy(edge_hbm.at[0, pl.ds(base, CHUNK_G)], is0)
    pltpu.sync_copy(edge_hbm.at[1, pl.ds(base, CHUNK_G)], id0)
    pltpu.async_copy(table_hbm.at[is0], r0, sg0)

    def outer(i2, carry):
        for b in (0, 1):
            nb = 1 - b
            nxt = i2 * 2 + b + 1

            def prefetch():
                off = base + nxt * CHUNK_G
                pltpu.sync_copy(edge_hbm.at[0, pl.ds(off, CHUNK_G)], IS[nb])
                pltpu.sync_copy(edge_hbm.at[1, pl.ds(off, CHUNK_G)], ID[nb])
                pltpu.async_copy(table_hbm.at[IS[nb]], R[nb], SG[nb])

            if b == 0:
                @pl.when(i2 > 0)
                def _():
                    pltpu.make_async_copy(R[1], acc.at[ID[1]], SS[1]).wait()
                prefetch()
            else:
                @pl.when(nxt < n_chunks)
                def _():
                    pltpu.make_async_copy(R[0], acc.at[ID[0]], SS[0]).wait()
                    prefetch()

            pltpu.make_async_copy(table_hbm.at[IS[b]], R[b], SG[b]).wait()
            pltpu.async_copy(R[b], acc.at[ID[b]], SS[b], add=True)
        return carry

    lax.fori_loop(0, n_chunks // 2, outer, 0)
    pltpu.make_async_copy(R[0], acc.at[ID[0]], SS[0]).wait()
    pltpu.make_async_copy(R[1], acc.at[ID[1]], SS[1]).wait()
    plsc.subcore_barrier()
    _striped_spmem_copy(n_nodes, s, lambda sl: acc.at[sl],
                        lambda sl: out_hbm.at[c, sl])


def _make_agg_kernel(n_nodes, n_edges):
    return pl.kernel(
        functools.partial(_agg_body, n_nodes, n_edges),
        out_type=jax.ShapeDtypeStruct((NC, n_nodes, D), jnp.float32),
        mesh=_mesh(),
        compiler_params=_SC_PARAMS,
        scratch_types=[
            pltpu.VMEM((CHUNK_G,), jnp.int32),
            pltpu.VMEM((CHUNK_G,), jnp.int32),
            pltpu.VMEM((CHUNK_G,), jnp.int32),
            pltpu.VMEM((CHUNK_G,), jnp.int32),
            pltpu.VMEM((CHUNK_G, D), jnp.float32),
            pltpu.VMEM((CHUNK_G, D), jnp.float32),
            pltpu.VMEM_SHARED((n_nodes, D), jnp.float32),
            pltpu.SemaphoreType.DMA,
            pltpu.SemaphoreType.DMA,
            pltpu.SemaphoreType.DMA,
            pltpu.SemaphoreType.DMA,
        ],
    )


def _tc_norm_body(degp_ref, x_ref, b0_ref, b1_ref, xs_ref, ns_ref, nd_ref):
    d = degp_ref[0] + degp_ref[1]
    deg_out = jnp.dot(d, b0_ref[...], preferred_element_type=jnp.float32)
    deg_in = jnp.dot(d, b1_ref[...], preferred_element_type=jnp.float32)
    ns = jnp.where(deg_out > 0, lax.rsqrt(deg_out), 0.0)
    nd = jnp.where(deg_in > 0, lax.rsqrt(deg_in), 0.0)
    xs_ref[...] = x_ref[...] * ns
    ns_ref[...] = ns
    nd_ref[...] = nd


def _tc_layer1_body(m1p_ref, ns_ref, nd_ref, w1a_ref, w1b_ref, b1a_ref,
                    b1b_ref, w2a_ref, w2b_ref, t2_ref):
    m = m1p_ref[0] + m1p_ref[1]
    ns = ns_ref[...]
    nd = nd_ref[...]
    ha = jnp.dot(m, w1a_ref[...], preferred_element_type=jnp.float32)
    hb = jnp.dot(m, w1b_ref[...], preferred_element_type=jnp.float32)
    ha = jnp.maximum(ha * nd + b1a_ref[...], 0.0) * ns
    hb = jnp.maximum(hb * nd + b1b_ref[...], 0.0) * ns
    t2_ref[...] = (
        jnp.dot(ha, w2a_ref[...], preferred_element_type=jnp.float32)
        + jnp.dot(hb, w2b_ref[...], preferred_element_type=jnp.float32))


def _tc_layer2_body(m2p_ref, nd_ref, b2_ref, out_ref):
    m = m2p_ref[0] + m2p_ref[1]
    out_ref[...] = m * nd_ref[...] + b2_ref[...]


def _whole(shape):
    return pl.BlockSpec(shape, lambda: tuple(0 for _ in shape))


def _tc_norm(degp_p, x_p, b0, b1, r):
    return pl.pallas_call(
        _tc_norm_body,
        in_specs=[_whole((NC, r, 128)), _whole((r, 128)),
                  _whole((128, 128)), _whole((128, 128))],
        out_specs=[_whole((r, 128))] * 3,
        out_shape=[jax.ShapeDtypeStruct((r, 128), jnp.float32)] * 3,
    )(degp_p, x_p, b0, b1)


def _tc_layer1(m1p_p, ns_p, nd_p, ws, r):
    return pl.pallas_call(
        _tc_layer1_body,
        in_specs=[_whole((NC, r, 128)), _whole((r, 128)), _whole((r, 128))]
        + [_whole((128, 128)), _whole((128, 128)), _whole((1, 128)),
           _whole((1, 128)), _whole((128, 128)), _whole((128, 128))],
        out_specs=_whole((r, 128)),
        out_shape=jax.ShapeDtypeStruct((r, 128), jnp.float32),
    )(m1p_p, ns_p, nd_p, *ws)


def _tc_layer2(m2p_p, nd_p, b2t, r):
    return pl.pallas_call(
        _tc_layer2_body,
        in_specs=[_whole((NC, r, 128)), _whole((r, 128)), _whole((1, 128))],
        out_specs=_whole((r, 128)),
        out_shape=jax.ShapeDtypeStruct((r, 128), jnp.float32),
    )(m2p_p, nd_p, b2t)


G = 128 // D


def kernel(x, edge_index, W1, b1, W2, b2):
    n_nodes, in_f = x.shape
    n_edges = edge_index.shape[1]
    hid_f = W1.shape[1]
    out_f = W2.shape[1]
    r = n_nodes // G
    assert n_nodes % G == 0 and n_nodes % 8 == 0
    assert n_edges % (NW * 2 * CHUNK) == 0
    assert n_edges % (NW * 2 * CHUNK_G) == 0
    assert in_f <= D and out_f <= D and hid_f <= 2 * D
    f32 = jnp.float32
    x_p = jnp.pad(x.astype(f32), ((0, 0), (0, D - in_f))).reshape(r, 128)
    zeros_d = jnp.zeros((_stripe_bounds(n_nodes)[0], D), f32)
    vsrc = jnp.zeros((CHUNK, D), f32).at[:, 0].set(1.0)
    vdst = jnp.zeros((CHUNK, D), f32).at[:, 1].set(1.0)

    eye_g = jnp.eye(G, dtype=f32)
    sel0 = jnp.zeros((D, D), f32).at[0, :].set(1.0)
    sel1 = jnp.zeros((D, D), f32).at[1, :].set(1.0)
    b0 = jnp.kron(eye_g, sel0)
    b1sel = jnp.kron(eye_g, sel1)
    w1p = jnp.zeros((D, 2 * D), f32).at[:in_f, :hid_f].set(W1)
    w1a = jnp.kron(eye_g, w1p[:, :D])
    w1b = jnp.kron(eye_g, w1p[:, D:])
    b1p = jnp.zeros((2 * D,), f32).at[:hid_f].set(b1)
    b1a = jnp.tile(b1p[:D], (G,))[None, :]
    b1b = jnp.tile(b1p[D:], (G,))[None, :]
    w2p = jnp.zeros((2 * D, D), f32).at[:hid_f, :out_f].set(W2)
    w2a = jnp.kron(eye_g, w2p[:D])
    w2b = jnp.kron(eye_g, w2p[D:])
    b2t = jnp.tile(jnp.zeros((D,), f32).at[:out_f].set(b2), (G,))[None, :]

    degp = _make_deg_kernel(n_nodes, n_edges)(edge_index, vsrc, vdst, zeros_d)
    xs_p, ns_p, nd_p = _tc_norm(degp.reshape(NC, r, 128), x_p, b0, b1sel, r)

    agg = _make_agg_kernel(n_nodes, n_edges)
    m1p = agg(xs_p.reshape(n_nodes, D), edge_index, zeros_d)
    t2_p = _tc_layer1(m1p.reshape(NC, r, 128), ns_p, nd_p,
                      (w1a, w1b, b1a, b1b, w2a, w2b), r)

    m2p = agg(t2_p.reshape(n_nodes, D), edge_index, zeros_d)
    out_p = _tc_layer2(m2p.reshape(NC, r, 128), nd_p, b2t, r)
    return out_p.reshape(n_nodes // G, G, D)[:, :, :out_f].reshape(
        n_nodes, out_f)

# --- scband reference (transcript-rebuilt; emitter-appended) ---
"""Pipeline reference for scband-gnn-44083544326840 (READ-ONLY COPY).

The authoritative reference and input builder live on the scoring server;
editing this copy changes nothing except your own understanding.
"""

import jax, jax.numpy as jnp
import numpy as np

N = 100000
E = 6400000
IN_F, HID_F, OUT_F = 5, 10, 2


def setup_inputs(seed: int = 0) -> dict:
    key = jax.random.key(seed)
    k1, k2, k3, k4, k5, k6 = jax.random.split(key, 6)
    x = jax.random.normal(k1, (N, IN_F), dtype=jnp.float32)
    edge_index = jax.random.randint(k2, (2, E), 0, N, dtype=jnp.int32)
    # GraphConv learned params (glorot-ish init)
    W1 = jax.random.normal(k3, (IN_F, HID_F), dtype=jnp.float32) * (1.0 / np.sqrt(IN_F))
    b1 = jnp.zeros((HID_F,), dtype=jnp.float32)
    W2 = jax.random.normal(k4, (HID_F, OUT_F), dtype=jnp.float32) * (1.0 / np.sqrt(HID_F))
    b2 = jnp.zeros((OUT_F,), dtype=jnp.float32)
    return {"x": x, "edge_index": edge_index, "W1": W1, "b1": b1, "W2": W2, "b2": b2}


def _gcn_layer(x, W, b, src, dst, num_nodes):
    # DGL GraphConv with norm='both': D_out^{-1/2} A D_in^{-1/2} X W + b
    ones = jnp.ones((src.shape[0],), dtype=x.dtype)
    deg_out = jnp.zeros((num_nodes,), dtype=x.dtype).at[src].add(ones)
    deg_in = jnp.zeros((num_nodes,), dtype=x.dtype).at[dst].add(ones)
    norm_src = jnp.where(deg_out > 0, deg_out ** -0.5, 0.0)
    norm_dst = jnp.where(deg_in > 0, deg_in ** -0.5, 0.0)
    h = x * norm_src[:, None]
    # mult W first (in_feats > out_feats path is equivalent mathematically)
    h = h @ W
    m = jax.ops.segment_sum(h[src], dst, num_segments=num_nodes)
    m = m * norm_dst[:, None]
    return m + b


def reference(x, edge_index, W1, b1, W2, b2):
    src = edge_index[0]
    dst = edge_index[1]
    n = x.shape[0]
    h = jax.nn.relu(_gcn_layer(x, W1, b1, src, dst, n))
    out = _gcn_layer(h, W2, b2, src, dst, n)
    return out

if __name__ == "__main__":
    import jax
    _d = setup_inputs()
    print(jax.jit(kernel)(*tuple(_d.values())))

</pallas_src>

<mosaic_0001>
#map = affine_map<(d0, d1) -> (0, 0)>
#map1 = affine_map<(d0, d1) -> (0, 0, 0)>
module attributes {stable_mosaic.version = 14 : i64} {
  func.func @_deg_body(%arg0: i32, %arg1: i32, %arg2: memref<2x6400000xi32, #tpu.memory_space<hbm>>, %arg3: memref<4000x8xf32, #tpu.memory_space<hbm>>, %arg4: memref<4000x8xf32, #tpu.memory_space<hbm>>, %arg5: memref<6248x8xf32, #tpu.memory_space<hbm>>, %arg6: memref<2x100000x8xf32, #tpu.memory_space<hbm>>, %arg7: memref<4000xi32, #tpu.memory_space<vmem>>, %arg8: memref<4000xi32, #tpu.memory_space<vmem>>, %arg9: memref<4000x8xf32, #tpu.memory_space<vmem>>, %arg10: memref<4000x8xf32, #tpu.memory_space<vmem>>, %arg11: memref<100000x8xf32, #tpu.memory_space<vmem_shared>>, %arg12: memref<!tpu.dma_semaphore, #tpu.memory_space<semaphore_mem>>, %arg13: memref<!tpu.dma_semaphore, #tpu.memory_space<semaphore_mem>>) attributes {dimension_semantics = [#tpu.dimension_semantics<core_parallel>, #tpu.dimension_semantics<subcore_parallel>], iteration_bounds = array<i64: 2, 16>, scalar_prefetch = 0 : i64, scratch_operands = 7 : i64, tpu.core_type = #tpu.core_type<sc_vector_subcore>, window_params = [{transform_indices = #map}, {transform_indices = #map}, {transform_indices = #map}, {transform_indices = #map}, {transform_indices = #map1}]} {
    %mul3A = arith.constant 6248 : i32
    %mul3A_0 = arith.muli %arg1, %mul3A : i32
    "tpu.region"() ({
      %run_scoped3A_27 = tpu.sem_alloc : memref<!tpu.dma_semaphore, #tpu.memory_space<semaphore_mem>>
      %dma_start3A = arith.constant 0 : i32
      %dma_start3A_28 = tpu.memref_slice %arg11[%mul3A_0, %dma_start3A] : memref<100000x8xf32, #tpu.memory_space<vmem_shared>> -> memref<6248x8xf32, #tpu.memory_space<vmem_shared>>
      %dma_start3A_29 = arith.constant 0 : i32
      %dma_start3A_30 = arith.constant 0 : i32
      %dma_start3A_31 = tpu.memref_slice %arg5[%dma_start3A_29, %dma_start3A_30] : memref<6248x8xf32, #tpu.memory_space<hbm>> -> memref<6248x8xf32, #tpu.memory_space<hbm>>
      tpu.enqueue_dma source(%dma_start3A_31 : memref<6248x8xf32, #tpu.memory_space<hbm>>) target(%dma_start3A_28 : memref<6248x8xf32, #tpu.memory_space<vmem_shared>>) target_semaphore(%run_scoped3A_27 : memref<!tpu.dma_semaphore, #tpu.memory_space<semaphore_mem>>)
      %dma_wait3A_32 = arith.constant 0 : i32
      %dma_wait3A_33 = tpu.memref_slice %arg11[%mul3A_0, %dma_wait3A_32] : memref<100000x8xf32, #tpu.memory_space<vmem_shared>> -> memref<6248x8xf32, #tpu.memory_space<vmem_shared>>
      %dma_wait3A_34 = arith.constant 0 : i32
      %dma_wait3A_35 = arith.constant 0 : i32
      %dma_wait3A_36 = tpu.memref_slice %arg5[%dma_wait3A_34, %dma_wait3A_35] : memref<6248x8xf32, #tpu.memory_space<hbm>> -> memref<6248x8xf32, #tpu.memory_space<hbm>>
      tpu.wait_dma2 semaphore(%run_scoped3A_27 : memref<!tpu.dma_semaphore, #tpu.memory_space<semaphore_mem>>) src(%dma_wait3A_36 : memref<6248x8xf32, #tpu.memory_space<hbm>>) dst(%dma_wait3A_33 : memref<6248x8xf32, #tpu.memory_space<vmem_shared>>)
      tpu.yield
    }) : () -> ()
    %eq3A = arith.constant 15 : i32
    %eq3A_1 = arith.cmpi eq, %arg1, %eq3A : i32
    %convert_element_type3A = arith.extui %eq3A_1 : i1 to i32
    %cond3A = arith.constant 0 : i32
    %cond3A_2 = arith.cmpi ne, %convert_element_type3A, %cond3A : i32
    scf.if %cond3A_2 {
      "tpu.region"() ({
        %run_scoped3A_27 = tpu.sem_alloc : memref<!tpu.dma_semaphore, #tpu.memory_space<semaphore_mem>>
        %dma_start3A = arith.constant 99968 : i32
        %dma_start3A_28 = arith.constant 0 : i32
        %dma_start3A_29 = tpu.memref_slice %arg11[%dma_start3A, %dma_start3A_28] : memref<100000x8xf32, #tpu.memory_space<vmem_shared>> -> memref<32x8xf32, #tpu.memory_space<vmem_shared>>
        %dma_start3A_30 = arith.constant 0 : i32
        %dma_start3A_31 = arith.constant 0 : i32
        %dma_start3A_32 = tpu.memref_slice %arg5[%dma_start3A_30, %dma_start3A_31] : memref<6248x8xf32, #tpu.memory_space<hbm>> -> memref<32x8xf32, #tpu.memory_space<hbm>>
        tpu.enqueue_dma source(%dma_start3A_32 : memref<32x8xf32, #tpu.memory_space<hbm>>) target(%dma_start3A_29 : memref<32x8xf32, #tpu.memory_space<vmem_shared>>) target_semaphore(%run_scoped3A_27 : memref<!tpu.dma_semaphore, #tpu.memory_space<semaphore_mem>>)
        %dma_wait3A_33 = arith.constant 99968 : i32
        %dma_wait3A_34 = arith.constant 0 : i32
        %dma_wait3A_35 = tpu.memref_slice %arg11[%dma_wait3A_33, %dma_wait3A_34] : memref<100000x8xf32, #tpu.memory_space<vmem_shared>> -> memref<32x8xf32, #tpu.memory_space<vmem_shared>>
        %dma_wait3A_36 = arith.constant 0 : i32
        %dma_wait3A_37 = arith.constant 0 : i32
        %dma_wait3A_38 = tpu.memref_slice %arg5[%dma_wait3A_36, %dma_wait3A_37] : memref<6248x8xf32, #tpu.memory_space<hbm>> -> memref<32x8xf32, #tpu.memory_space<hbm>>
        tpu.wait_dma2 semaphore(%run_scoped3A_27 : memref<!tpu.dma_semaphore, #tpu.memory_space<semaphore_mem>>) src(%dma_wait3A_38 : memref<32x8xf32, #tpu.memory_space<hbm>>) dst(%dma_wait3A_35 : memref<32x8xf32, #tpu.memory_space<vmem_shared>>)
        tpu.yield
      }) : () -> ()
    } else {
    }
    "tpu.region"() ({
      %run_scoped3A_27 = tpu.sem_alloc : memref<!tpu.dma_semaphore, #tpu.memory_space<semaphore_mem>>
      tpu.enqueue_dma source(%arg3 : memref<4000x8xf32, #tpu.memory_space<hbm>>) target(%arg9 : memref<4000x8xf32, #tpu.memory_space<vmem>>) target_semaphore(%run_scoped3A_27 : memref<!tpu.dma_semaphore, #tpu.memory_space<semaphore_mem>>)
      tpu.wait_dma2 semaphore(%run_scoped3A_27 : memref<!tpu.dma_semaphore, #tpu.memory_space<semaphore_mem>>) src(%arg3 : memref<4000x8xf32, #tpu.memory_space<hbm>>) dst(%arg9 : memref<4000x8xf32, #tpu.memory_space<vmem>>)
      tpu.yield
    }) : () -> ()
    "tpu.region"() ({
      %run_scoped3A_27 = tpu.sem_alloc : memref<!tpu.dma_semaphore, #tpu.memory_space<semaphore_mem>>
      tpu.enqueue_dma source(%arg4 : memref<4000x8xf32, #tpu.memory_space<hbm>>) target(%arg10 : memref<4000x8xf32, #tpu.memory_space<vmem>>) target_semaphore(%run_scoped3A_27 : memref<!tpu.dma_semaphore, #tpu.memory_space<semaphore_mem>>)
      tpu.wait_dma2 semaphore(%run_scoped3A_27 : memref<!tpu.dma_semaphore, #tpu.memory_space<semaphore_mem>>) src(%arg4 : memref<4000x8xf32, #tpu.memory_space<hbm>>) dst(%arg10 : memref<4000x8xf32, #tpu.memory_space<vmem>>)
      tpu.yield
    }) : () -> ()
    %barrier3A = arith.constant 0 : index
    tpu.barrier barrier_id(%barrier3A)
    %mul3A_3 = arith.constant 16 : i32
    %mul3A_4 = arith.muli %arg0, %mul3A_3 : i32
    %add3A = arith.addi %mul3A_4, %arg1 : i32
    %mul3A_5 = arith.constant 200000 : i32
    %mul3A_6 = arith.muli %add3A, %mul3A_5 : i32
    %run_scoped3A = arith.constant 0 : i32
    "tpu.region"() ({
      %run_scoped3A_27 = tpu.sem_alloc : memref<!tpu.dma_semaphore, #tpu.memory_space<semaphore_mem>>
      %dma_start3A = tpu.memref_slice %arg2[%run_scoped3A, %mul3A_6] : memref<2x6400000xi32, #tpu.memory_space<hbm>> -> memref<1x4000xi32, #tpu.memory_space<hbm>>
      %dma_start3A_28 = tpu.memref_squeeze %dma_start3A : memref<1x4000xi32, #tpu.memory_space<hbm>> -> memref<4000xi32, #tpu.memory_space<hbm>>
      %dma_start3A_29 = tpu.memref_slice %arg2[%run_scoped3A, %mul3A_6] : memref<2x6400000xi32, #tpu.memory_space<hbm>> -> memref<1x4000xi32, #tpu.memory_space<hbm>>
      %dma_start3A_30 = tpu.memref_squeeze %dma_start3A_29 : memref<1x4000xi32, #tpu.memory_space<hbm>> -> memref<4000xi32, #tpu.memory_space<hbm>>
      tpu.enqueue_dma source(%dma_start3A_30 : memref<4000xi32, #tpu.memory_space<hbm>>) target(%arg7 : memref<4000xi32, #tpu.memory_space<vmem>>) target_semaphore(%run_scoped3A_27 : memref<!tpu.dma_semaphore, #tpu.memory_space<semaphore_mem>>)
      %dma_wait3A_31 = tpu.memref_slice %arg2[%run_scoped3A, %mul3A_6] : memref<2x6400000xi32, #tpu.memory_space<hbm>> -> memref<1x4000xi32, #tpu.memory_space<hbm>>
      %dma_wait3A_32 = tpu.memref_squeeze %dma_wait3A_31 : memref<1x4000xi32, #tpu.memory_space<hbm>> -> memref<4000xi32, #tpu.memory_space<hbm>>
      %dma_wait3A_33 = tpu.memref_slice %arg2[%run_scoped3A, %mul3A_6] : memref<2x6400000xi32, #tpu.memory_space<hbm>> -> memref<1x4000xi32, #tpu.memory_space<hbm>>
      %dma_wait3A_34 = tpu.memref_squeeze %dma_wait3A_33 : memref<1x4000xi32, #tpu.memory_space<hbm>> -> memref<4000xi32, #tpu.memory_space<hbm>>
      tpu.wait_dma2 semaphore(%run_scoped3A_27 : memref<!tpu.dma_semaphore, #tpu.memory_space<semaphore_mem>>) src(%dma_wait3A_34 : memref<4000xi32, #tpu.memory_space<hbm>>) dst(%arg7 : memref<4000xi32, #tpu.memory_space<vmem>>)
      tpu.yield
    }) : () -> ()
    %scan3A = arith.constant 0 : i32
    %scan3A_7 = arith.constant 0 : i32
    %scan3A_8 = arith.constant 50 : i32
    %scan3A_9 = arith.addi %scan3A_7, %scan3A_8 : i32
    %scan3A_10 = arith.constant 1 : i32
    scf.for %scan3A_27 = %scan3A_7 to %scan3A_9 step %scan3A_10  : i32 {
      %dma_start3A = arith.constant 0 : i32
      %dma_start3A_28 = arith.constant 0 : i32
      %dma_start3A_29 = tpu.memref_slice %arg11[%dma_start3A, %dma_start3A_28] : memref<100000x8xf32, #tpu.memory_space<vmem_shared>> -> memref<100000x8xf32, #tpu.memory_space<vmem_shared>>
      tpu.enqueue_indirect_dma source(%arg9 : memref<4000x8xf32, #tpu.memory_space<vmem>>) target(%dma_start3A_29 : memref<100000x8xf32, #tpu.memory_space<vmem_shared>>) offsets(%arg7 : memref<4000xi32, #tpu.memory_space<vmem>>) semaphore(%arg12 : memref<!tpu.dma_semaphore, #tpu.memory_space<semaphore_mem>>) {add = true}
      %gt3A = arith.constant 0 : i32
      %gt3A_30 = arith.cmpi sgt, %scan3A_27, %gt3A : i32
      %convert_element_type3A_31 = arith.extui %gt3A_30 : i1 to i32
      %cond3A_32 = arith.constant 0 : i32
      %cond3A_33 = arith.cmpi ne, %convert_element_type3A_31, %cond3A_32 : i32
      scf.if %cond3A_33 {
        %dma_wait3A_47 = arith.constant 0 : i32
        %dma_wait3A_48 = arith.constant 0 : i32
        %dma_wait3A_49 = tpu.memref_slice %arg11[%dma_wait3A_47, %dma_wait3A_48] : memref<100000x8xf32, #tpu.memory_space<vmem_shared>> -> memref<100000x8xf32, #tpu.memory_space<vmem_shared>>
        tpu.wait_indirect_dma semaphore(%arg13 : memref<!tpu.dma_semaphore, #tpu.memory_space<semaphore_mem>>) src(%arg10 : memref<4000x8xf32, #tpu.memory_space<vmem>>) dst(%dma_wait3A_49 : memref<100000x8xf32, #tpu.memory_space<vmem_shared>>)
      } else {
      }
      %mul3A_34 = arith.constant 4000 : i32
      %mul3A_35 = arith.muli %scan3A_27, %mul3A_34 : i32
      %add3A_36 = arith.addi %mul3A_6, %mul3A_35 : i32
      %run_scoped3A_37 = arith.constant 1 : i32
      "tpu.region"() ({
        %run_scoped3A_47 = tpu.sem_alloc : memref<!tpu.dma_semaphore, #tpu.memory_space<semaphore_mem>>
        %dma_start3A_48 = tpu.memref_slice %arg2[%run_scoped3A_37, %add3A_36] : memref<2x6400000xi32, #tpu.memory_space<hbm>> -> memref<1x4000xi32, #tpu.memory_space<hbm>>
        %dma_start3A_49 = tpu.memref_squeeze %dma_start3A_48 : memref<1x4000xi32, #tpu.memory_space<hbm>> -> memref<4000xi32, #tpu.memory_space<hbm>>
        %dma_start3A_50 = tpu.memref_slice %arg2[%run_scoped3A_37, %add3A_36] : memref<2x6400000xi32, #tpu.memory_space<hbm>> -> memref<1x4000xi32, #tpu.memory_space<hbm>>
        %dma_start3A_51 = tpu.memref_squeeze %dma_start3A_50 : memref<1x4000xi32, #tpu.memory_space<hbm>> -> memref<4000xi32, #tpu.memory_space<hbm>>
        tpu.enqueue_dma source(%dma_start3A_51 : memref<4000xi32, #tpu.memory_space<hbm>>) target(%arg8 : memref<4000xi32, #tpu.memory_space<vmem>>) target_semaphore(%run_scoped3A_47 : memref<!tpu.dma_semaphore, #tpu.memory_space<semaphore_mem>>)
        %dma_wait3A_52 = tpu.memref_slice %arg2[%run_scoped3A_37, %add3A_36] : memref<2x6400000xi32, #tpu.memory_space<hbm>> -> memref<1x4000xi32, #tpu.memory_space<hbm>>
        %dma_wait3A_53 = tpu.memref_squeeze %dma_wait3A_52 : memref<1x4000xi32, #tpu.memory_space<hbm>> -> memref<4000xi32, #tpu.memory_space<hbm>>
        %dma_wait3A_54 = tpu.memref_slice %arg2[%run_scoped3A_37, %add3A_36] : memref<2x6400000xi32, #tpu.memory_space<hbm>> -> memref<1x4000xi32, #tpu.memory_space<hbm>>
        %dma_wait3A_55 = tpu.memref_squeeze %dma_wait3A_54 : memref<1x4000xi32, #tpu.memory_space<hbm>> -> memref<4000xi32, #tpu.memory_space<hbm>>
        tpu.wait_dma2 semaphore(%run_scoped3A_47 : memref<!tpu.dma_semaphore, #tpu.memory_space<semaphore_mem>>) src(%dma_wait3A_55 : memref<4000xi32, #tpu.memory_space<hbm>>) dst(%arg8 : memref<4000xi32, #tpu.memory_space<vmem>>)
        tpu.yield
      }) : () -> ()
      %dma_start3A_38 = arith.constant 0 : i32
      %dma_start3A_39 = arith.constant 0 : i32
      %dma_start3A_40 = tpu.memref_slice %arg11[%dma_start3A_38, %dma_start3A_39] : memref<100000x8xf32, #tpu.memory_space<vmem_shared>> -> memref<100000x8xf32, #tpu.memory_space<vmem_shared>>
      tpu.enqueue_indirect_dma source(%arg10 : memref<4000x8xf32, #tpu.memory_space<vmem>>) target(%dma_start3A_40 : memref<100000x8xf32, #tpu.memory_space<vmem_shared>>) offsets(%arg8 : memref<4000xi32, #tpu.memory_space<vmem>>) semaphore(%arg13 : memref<!tpu.dma_semaphore, #tpu.memory_space<semaphore_mem>>) {add = true}
      %add3A_41 = arith.constant 1 : i32
      %add3A_42 = arith.addi %scan3A_27, %add3A_41 : i32
      %lt3A = arith.constant 50 : i32
      %lt3A_43 = arith.cmpi slt, %add3A_42, %lt3A : i32
      %convert_element_type3A_44 = arith.extui %lt3A_43 : i1 to i32
      %cond3A_45 = arith.constant 0 : i32
      %cond3A_46 = arith.cmpi ne, %convert_element_type3A_44, %cond3A_45 : i32
      scf.if %cond3A_46 {
        %dma_wait3A_47 = arith.constant 0 : i32
        %dma_wait3A_48 = arith.constant 0 : i32
        %dma_wait3A_49 = tpu.memref_slice %arg11[%dma_wait3A_47, %dma_wait3A_48] : memref<100000x8xf32, #tpu.memory_space<vmem_shared>> -> memref<100000x8xf32, #tpu.memory_space<vmem_shared>>
        tpu.wait_indirect_dma semaphore(%arg12 : memref<!tpu.dma_semaphore, #tpu.memory_space<semaphore_mem>>) src(%arg9 : memref<4000x8xf32, #tpu.memory_space<vmem>>) dst(%dma_wait3A_49 : memref<100000x8xf32, #tpu.memory_space<vmem_shared>>)
        %add3A_50 = arith.constant 1 : i32
        %add3A_51 = arith.addi %scan3A_27, %add3A_50 : i32
        %mul3A_52 = arith.constant 4000 : i32
        %mul3A_53 = arith.muli %add3A_51, %mul3A_52 : i32
        %add3A_54 = arith.addi %mul3A_6, %mul3A_53 : i32
        %run_scoped3A_55 = arith.constant 0 : i32
        "tpu.region"() ({
          %run_scoped3A_56 = tpu.sem_alloc : memref<!tpu.dma_semaphore, #tpu.memory_space<semaphore_mem>>
          %dma_start3A_57 = tpu.memref_slice %arg2[%run_scoped3A_55, %add3A_54] : memref<2x6400000xi32, #tpu.memory_space<hbm>> -> memref<1x4000xi32, #tpu.memory_space<hbm>>
          %dma_start3A_58 = tpu.memref_squeeze %dma_start3A_57 : memref<1x4000xi32, #tpu.memory_space<hbm>> -> memref<4000xi32, #tpu.memory_space<hbm>>
          %dma_start3A_59 = tpu.memref_slice %arg2[%run_scoped3A_55, %add3A_54] : memref<2x6400000xi32, #tpu.memory_space<hbm>> -> memref<1x4000xi32, #tpu.memory_space<hbm>>
          %dma_start3A_60 = tpu.memref_squeeze %dma_start3A_59 : memref<1x4000xi32, #tpu.memory_space<hbm>> -> memref<4000xi32, #tpu.memory_space<hbm>>
          tpu.enqueue_dma source(%dma_start3A_60 : memref<4000xi32, #tpu.memory_space<hbm>>) target(%arg7 : memref<4000xi32, #tpu.memory_space<vmem>>) target_semaphore(%run_scoped3A_56 : memref<!tpu.dma_semaphore, #tpu.memory_space<semaphore_mem>>)
          %dma_wait3A_61 = tpu.memref_slice %arg2[%run_scoped3A_55, %add3A_54] : memref<2x6400000xi32, #tpu.memory_space<hbm>> -> memref<1x4000xi32, #tpu.memory_space<hbm>>
          %dma_wait3A_62 = tpu.memref_squeeze %dma_wait3A_61 : memref<1x4000xi32, #tpu.memory_space<hbm>> -> memref<4000xi32, #tpu.memory_space<hbm>>
          %dma_wait3A_63 = tpu.memref_slice %arg2[%run_scoped3A_55, %add3A_54] : memref<2x6400000xi32, #tpu.memory_space<hbm>> -> memref<1x4000xi32, #tpu.memory_space<hbm>>
          %dma_wait3A_64 = tpu.memref_squeeze %dma_wait3A_63 : memref<1x4000xi32, #tpu.memory_space<hbm>> -> memref<4000xi32, #tpu.memory_space<hbm>>
          tpu.wait_dma2 semaphore(%run_scoped3A_56 : memref<!tpu.dma_semaphore, #tpu.memory_space<semaphore_mem>>) src(%dma_wait3A_64 : memref<4000xi32, #tpu.memory_space<hbm>>) dst(%arg7 : memref<4000xi32, #tpu.memory_space<vmem>>)
          tpu.yield
        }) : () -> ()
      } else {
      }
    }
    %scan3A_11 = arith.constant 50 : i32
    %dma_wait3A = arith.constant 0 : i32
    %dma_wait3A_12 = arith.constant 0 : i32
    %dma_wait3A_13 = tpu.memref_slice %arg11[%dma_wait3A, %dma_wait3A_12] : memref<100000x8xf32, #tpu.memory_space<vmem_shared>> -> memref<100000x8xf32, #tpu.memory_space<vmem_shared>>
    tpu.wait_indirect_dma semaphore(%arg12 : memref<!tpu.dma_semaphore, #tpu.memory_space<semaphore_mem>>) src(%arg9 : memref<4000x8xf32, #tpu.memory_space<vmem>>) dst(%dma_wait3A_13 : memref<100000x8xf32, #tpu.memory_space<vmem_shared>>)
    %dma_wait3A_14 = arith.constant 0 : i32
    %dma_wait3A_15 = arith.constant 0 : i32
    %dma_wait3A_16 = tpu.memref_slice %arg11[%dma_wait3A_14, %dma_wait3A_15] : memref<100000x8xf32, #tpu.memory_space<vmem_shared>> -> memref<100000x8xf32, #tpu.memory_space<vmem_shared>>
    tpu.wait_indirect_dma semaphore(%arg13 : memref<!tpu.dma_semaphore, #tpu.memory_space<semaphore_mem>>) src(%arg10 : memref<4000x8xf32, #tpu.memory_space<vmem>>) dst(%dma_wait3A_16 : memref<100000x8xf32, #tpu.memory_space<vmem_shared>>)
    %barrier3A_17 = arith.constant 0 : index
    tpu.barrier barrier_id(%barrier3A_17)
    %mul3A_18 = arith.constant 6248 : i32
    %mul3A_19 = arith.muli %arg1, %mul3A_18 : i32
    %mul3A_20 = arith.constant 6248 : i32
    %mul3A_21 = arith.muli %arg1, %mul3A_20 : i32
    "tpu.region"() ({
      %run_scoped3A_27 = tpu.sem_alloc : memref<!tpu.dma_semaphore, #tpu.memory_space<semaphore_mem>>
      %dma_start3A = arith.constant 0 : i32
      %dma_start3A_28 = tpu.memref_slice %arg6[%arg0, %mul3A_21, %dma_start3A] : memref<2x100000x8xf32, #tpu.memory_space<hbm>> -> memref<1x6248x8xf32, #tpu.memory_space<hbm>>
      %dma_start3A_29 = tpu.memref_squeeze %dma_start3A_28 : memref<1x6248x8xf32, #tpu.memory_space<hbm>> -> memref<6248x8xf32, #tpu.memory_space<hbm>>
      %dma_start3A_30 = arith.constant 0 : i32
      %dma_start3A_31 = tpu.memref_slice %arg11[%mul3A_19, %dma_start3A_30] : memref<100000x8xf32, #tpu.memory_space<vmem_shared>> -> memref<6248x8xf32, #tpu.memory_space<vmem_shared>>
      tpu.enqueue_dma source(%dma_start3A_31 : memref<6248x8xf32, #tpu.memory_space<vmem_shared>>) target(%dma_start3A_29 : memref<6248x8xf32, #tpu.memory_space<hbm>>) target_semaphore(%run_scoped3A_27 : memref<!tpu.dma_semaphore, #tpu.memory_space<semaphore_mem>>)
      %dma_wait3A_32 = arith.constant 0 : i32
      %dma_wait3A_33 = tpu.memref_slice %arg6[%arg0, %mul3A_21, %dma_wait3A_32] : memref<2x100000x8xf32, #tpu.memory_space<hbm>> -> memref<1x6248x8xf32, #tpu.memory_space<hbm>>
      %dma_wait3A_34 = tpu.memref_squeeze %dma_wait3A_33 : memref<1x6248x8xf32, #tpu.memory_space<hbm>> -> memref<6248x8xf32, #tpu.memory_space<hbm>>
      %dma_wait3A_35 = arith.constant 0 : i32
      %dma_wait3A_36 = tpu.memref_slice %arg11[%mul3A_19, %dma_wait3A_35] : memref<100000x8xf32, #tpu.memory_space<vmem_shared>> -> memref<6248x8xf32, #tpu.memory_space<vmem_shared>>
      tpu.wait_dma2 semaphore(%run_scoped3A_27 : memref<!tpu.dma_semaphore, #tpu.memory_space<semaphore_mem>>) src(%dma_wait3A_36 : memref<6248x8xf32, #tpu.memory_space<vmem_shared>>) dst(%dma_wait3A_34 : memref<6248x8xf32, #tpu.memory_space<hbm>>)
      tpu.yield
    }) : () -> ()
    %eq3A_22 = arith.constant 15 : i32
    %eq3A_23 = arith.cmpi eq, %arg1, %eq3A_22 : i32
    %convert_element_type3A_24 = arith.extui %eq3A_23 : i1 to i32
    %cond3A_25 = arith.constant 0 : i32
    %cond3A_26 = arith.cmpi ne, %convert_element_type3A_24, %cond3A_25 : i32
    scf.if %cond3A_26 {
      "tpu.region"() ({
        %run_scoped3A_27 = tpu.sem_alloc : memref<!tpu.dma_semaphore, #tpu.memory_space<semaphore_mem>>
        %dma_start3A = arith.constant 99968 : i32
        %dma_start3A_28 = arith.constant 0 : i32
        %dma_start3A_29 = tpu.memref_slice %arg6[%arg0, %dma_start3A, %dma_start3A_28] : memref<2x100000x8xf32, #tpu.memory_space<hbm>> -> memref<1x32x8xf32, #tpu.memory_space<hbm>>
        %dma_start3A_30 = tpu.memref_squeeze %dma_start3A_29 : memref<1x32x8xf32, #tpu.memory_space<hbm>> -> memref<32x8xf32, #tpu.memory_space<hbm>>
        %dma_start3A_31 = arith.constant 99968 : i32
        %dma_start3A_32 = arith.constant 0 : i32
        %dma_start3A_33 = tpu.memref_slice %arg11[%dma_start3A_31, %dma_start3A_32] : memref<100000x8xf32, #tpu.memory_space<vmem_shared>> -> memref<32x8xf32, #tpu.memory_space<vmem_shared>>
        tpu.enqueue_dma source(%dma_start3A_33 : memref<32x8xf32, #tpu.memory_space<vmem_shared>>) target(%dma_start3A_30 : memref<32x8xf32, #tpu.memory_space<hbm>>) target_semaphore(%run_scoped3A_27 : memref<!tpu.dma_semaphore, #tpu.memory_space<semaphore_mem>>)
        %dma_wait3A_34 = arith.constant 99968 : i32
        %dma_wait3A_35 = arith.constant 0 : i32
        %dma_wait3A_36 = tpu.memref_slice %arg6[%arg0, %dma_wait3A_34, %dma_wait3A_35] : memref<2x100000x8xf32, #tpu.memory_space<hbm>> -> memref<1x32x8xf32, #tpu.memory_space<hbm>>
        %dma_wait3A_37 = tpu.memref_squeeze %dma_wait3A_36 : memref<1x32x8xf32, #tpu.memory_space<hbm>> -> memref<32x8xf32, #tpu.memory_space<hbm>>
        %dma_wait3A_38 = arith.constant 99968 : i32
        %dma_wait3A_39 = arith.constant 0 : i32
        %dma_wait3A_40 = tpu.memref_slice %arg11[%dma_wait3A_38, %dma_wait3A_39] : memref<100000x8xf32, #tpu.memory_space<vmem_shared>> -> memref<32x8xf32, #tpu.memory_space<vmem_shared>>
        tpu.wait_dma2 semaphore(%run_scoped3A_27 : memref<!tpu.dma_semaphore, #tpu.memory_space<semaphore_mem>>) src(%dma_wait3A_40 : memref<32x8xf32, #tpu.memory_space<vmem_shared>>) dst(%dma_wait3A_37 : memref<32x8xf32, #tpu.memory_space<hbm>>)
        tpu.yield
      }) : () -> ()
    } else {
    }
    return
  }
}

#map = affine_map<(d0, d1) -> (0, 0)>
#map1 = affine_map<(d0, d1) -> (0, 0, 0)>
module attributes {stable_mosaic.version = 14 : i64} {
  func.func @_agg_body(%arg0: i32, %arg1: i32, %arg2: memref<100000x8xf32, #tpu.memory_space<hbm>>, %arg3: memref<2x6400000xi32, #tpu.memory_space<hbm>>, %arg4: memref<6248x8xf32, #tpu.memory_space<hbm>>, %arg5: memref<2x100000x8xf32, #tpu.memory_space<hbm>>, %arg6: memref<4000xi32, #tpu.memory_space<vmem>>, %arg7: memref<4000xi32, #tpu.memory_space<vmem>>, %arg8: memref<4000xi32, #tpu.memory_space<vmem>>, %arg9: memref<4000xi32, #tpu.memory_space<vmem>>, %arg10: memref<4000x8xf32, #tpu.memory_space<vmem>>, %arg11: memref<4000x8xf32, #tpu.memory_space<vmem>>, %arg12: memref<100000x8xf32, #tpu.memory_space<vmem_shared>>, %arg13: memref<!tpu.dma_semaphore, #tpu.memory_space<semaphore_mem>>, %arg14: memref<!tpu.dma_semaphore, #tpu.memory_space<semaphore_mem>>, %arg15: memref<!tpu.dma_semaphore, #tpu.memory_space<semaphore_mem>>, %arg16: memref<!tpu.dma_semaphore, #tpu.memory_space<semaphore_mem>>) attributes {dimension_semantics = [#tpu.dimension_semantics<core_parallel>, #tpu.dimension_semantics<subcore_parallel>], iteration_bounds = array<i64: 2, 16>, scalar_prefetch = 0 : i64, scratch_operands = 11 : i64, tpu.core_type = #tpu.core_type<sc_vector_subcore>, window_params = [{transform_indices = #map}, {transform_indices = #map}, {transform_indices = #map}, {transform_indices = #map1}]} {
    %mul3A = arith.constant 6248 : i32
    %mul3A_0 = arith.muli %arg1, %mul3A : i32
    "tpu.region"() ({
      %run_scoped3A_30 = tpu.sem_alloc : memref<!tpu.dma_semaphore, #tpu.memory_space<semaphore_mem>>
      %dma_start3A_31 = arith.constant 0 : i32
      %dma_start3A_32 = tpu.memref_slice %arg12[%mul3A_0, %dma_start3A_31] : memref<100000x8xf32, #tpu.memory_space<vmem_shared>> -> memref<6248x8xf32, #tpu.memory_space<vmem_shared>>
      %dma_start3A_33 = arith.constant 0 : i32
      %dma_start3A_34 = arith.constant 0 : i32
      %dma_start3A_35 = tpu.memref_slice %arg4[%dma_start3A_33, %dma_start3A_34] : memref<6248x8xf32, #tpu.memory_space<hbm>> -> memref<6248x8xf32, #tpu.memory_space<hbm>>
      tpu.enqueue_dma source(%dma_start3A_35 : memref<6248x8xf32, #tpu.memory_space<hbm>>) target(%dma_start3A_32 : memref<6248x8xf32, #tpu.memory_space<vmem_shared>>) target_semaphore(%run_scoped3A_30 : memref<!tpu.dma_semaphore, #tpu.memory_space<semaphore_mem>>)
      %dma_wait3A_36 = arith.constant 0 : i32
      %dma_wait3A_37 = tpu.memref_slice %arg12[%mul3A_0, %dma_wait3A_36] : memref<100000x8xf32, #tpu.memory_space<vmem_shared>> -> memref<6248x8xf32, #tpu.memory_space<vmem_shared>>
      %dma_wait3A_38 = arith.constant 0 : i32
      %dma_wait3A_39 = arith.constant 0 : i32
      %dma_wait3A_40 = tpu.memref_slice %arg4[%dma_wait3A_38, %dma_wait3A_39] : memref<6248x8xf32, #tpu.memory_space<hbm>> -> memref<6248x8xf32, #tpu.memory_space<hbm>>
      tpu.wait_dma2 semaphore(%run_scoped3A_30 : memref<!tpu.dma_semaphore, #tpu.memory_space<semaphore_mem>>) src(%dma_wait3A_40 : memref<6248x8xf32, #tpu.memory_space<hbm>>) dst(%dma_wait3A_37 : memref<6248x8xf32, #tpu.memory_space<vmem_shared>>)
      tpu.yield
    }) : () -> ()
    %eq3A = arith.constant 15 : i32
    %eq3A_1 = arith.cmpi eq, %arg1, %eq3A : i32
    %convert_element_type3A = arith.extui %eq3A_1 : i1 to i32
    %cond3A = arith.constant 0 : i32
    %cond3A_2 = arith.cmpi ne, %convert_element_type3A, %cond3A : i32
    scf.if %cond3A_2 {
      "tpu.region"() ({
        %run_scoped3A_30 = tpu.sem_alloc : memref<!tpu.dma_semaphore, #tpu.memory_space<semaphore_mem>>
        %dma_start3A_31 = arith.constant 99968 : i32
        %dma_start3A_32 = arith.constant 0 : i32
        %dma_start3A_33 = tpu.memref_slice %arg12[%dma_start3A_31, %dma_start3A_32] : memref<100000x8xf32, #tpu.memory_space<vmem_shared>> -> memref<32x8xf32, #tpu.memory_space<vmem_shared>>
        %dma_start3A_34 = arith.constant 0 : i32
        %dma_start3A_35 = arith.constant 0 : i32
        %dma_start3A_36 = tpu.memref_slice %arg4[%dma_start3A_34, %dma_start3A_35] : memref<6248x8xf32, #tpu.memory_space<hbm>> -> memref<32x8xf32, #tpu.memory_space<hbm>>
        tpu.enqueue_dma source(%dma_start3A_36 : memref<32x8xf32, #tpu.memory_space<hbm>>) target(%dma_start3A_33 : memref<32x8xf32, #tpu.memory_space<vmem_shared>>) target_semaphore(%run_scoped3A_30 : memref<!tpu.dma_semaphore, #tpu.memory_space<semaphore_mem>>)
        %dma_wait3A_37 = arith.constant 99968 : i32
        %dma_wait3A_38 = arith.constant 0 : i32
        %dma_wait3A_39 = tpu.memref_slice %arg12[%dma_wait3A_37, %dma_wait3A_38] : memref<100000x8xf32, #tpu.memory_space<vmem_shared>> -> memref<32x8xf32, #tpu.memory_space<vmem_shared>>
        %dma_wait3A_40 = arith.constant 0 : i32
        %dma_wait3A_41 = arith.constant 0 : i32
        %dma_wait3A_42 = tpu.memref_slice %arg4[%dma_wait3A_40, %dma_wait3A_41] : memref<6248x8xf32, #tpu.memory_space<hbm>> -> memref<32x8xf32, #tpu.memory_space<hbm>>
        tpu.wait_dma2 semaphore(%run_scoped3A_30 : memref<!tpu.dma_semaphore, #tpu.memory_space<semaphore_mem>>) src(%dma_wait3A_42 : memref<32x8xf32, #tpu.memory_space<hbm>>) dst(%dma_wait3A_39 : memref<32x8xf32, #tpu.memory_space<vmem_shared>>)
        tpu.yield
      }) : () -> ()
    } else {
    }
    %barrier3A = arith.constant 0 : index
    tpu.barrier barrier_id(%barrier3A)
    %mul3A_3 = arith.constant 16 : i32
    %mul3A_4 = arith.muli %arg0, %mul3A_3 : i32
    %add3A = arith.addi %mul3A_4, %arg1 : i32
    %mul3A_5 = arith.constant 200000 : i32
    %mul3A_6 = arith.muli %add3A, %mul3A_5 : i32
    %run_scoped3A = arith.constant 0 : i32
    "tpu.region"() ({
      %run_scoped3A_30 = tpu.sem_alloc : memref<!tpu.dma_semaphore, #tpu.memory_space<semaphore_mem>>
      %dma_start3A_31 = tpu.memref_slice %arg3[%run_scoped3A, %mul3A_6] : memref<2x6400000xi32, #tpu.memory_space<hbm>> -> memref<1x4000xi32, #tpu.memory_space<hbm>>
      %dma_start3A_32 = tpu.memref_squeeze %dma_start3A_31 : memref<1x4000xi32, #tpu.memory_space<hbm>> -> memref<4000xi32, #tpu.memory_space<hbm>>
      %dma_start3A_33 = tpu.memref_slice %arg3[%run_scoped3A, %mul3A_6] : memref<2x6400000xi32, #tpu.memory_space<hbm>> -> memref<1x4000xi32, #tpu.memory_space<hbm>>
      %dma_start3A_34 = tpu.memref_squeeze %dma_start3A_33 : memref<1x4000xi32, #tpu.memory_space<hbm>> -> memref<4000xi32, #tpu.memory_space<hbm>>
      tpu.enqueue_dma source(%dma_start3A_34 : memref<4000xi32, #tpu.memory_space<hbm>>) target(%arg6 : memref<4000xi32, #tpu.memory_space<vmem>>) target_semaphore(%run_scoped3A_30 : memref<!tpu.dma_semaphore, #tpu.memory_space<semaphore_mem>>)
      %dma_wait3A_35 = tpu.memref_slice %arg3[%run_scoped3A, %mul3A_6] : memref<2x6400000xi32, #tpu.memory_space<hbm>> -> memref<1x4000xi32, #tpu.memory_space<hbm>>
      %dma_wait3A_36 = tpu.memref_squeeze %dma_wait3A_35 : memref<1x4000xi32, #tpu.memory_space<hbm>> -> memref<4000xi32, #tpu.memory_space<hbm>>
      %dma_wait3A_37 = tpu.memref_slice %arg3[%run_scoped3A, %mul3A_6] : memref<2x6400000xi32, #tpu.memory_space<hbm>> -> memref<1x4000xi32, #tpu.memory_space<hbm>>
      %dma_wait3A_38 = tpu.memref_squeeze %dma_wait3A_37 : memref<1x4000xi32, #tpu.memory_space<hbm>> -> memref<4000xi32, #tpu.memory_space<hbm>>
      tpu.wait_dma2 semaphore(%run_scoped3A_30 : memref<!tpu.dma_semaphore, #tpu.memory_space<semaphore_mem>>) src(%dma_wait3A_38 : memref<4000xi32, #tpu.memory_space<hbm>>) dst(%arg6 : memref<4000xi32, #tpu.memory_space<vmem>>)
      tpu.yield
    }) : () -> ()
    %run_scoped3A_7 = arith.constant 1 : i32
    "tpu.region"() ({
      %run_scoped3A_30 = tpu.sem_alloc : memref<!tpu.dma_semaphore, #tpu.memory_space<semaphore_mem>>
      %dma_start3A_31 = tpu.memref_slice %arg3[%run_scoped3A_7, %mul3A_6] : memref<2x6400000xi32, #tpu.memory_space<hbm>> -> memref<1x4000xi32, #tpu.memory_space<hbm>>
      %dma_start3A_32 = tpu.memref_squeeze %dma_start3A_31 : memref<1x4000xi32, #tpu.memory_space<hbm>> -> memref<4000xi32, #tpu.memory_space<hbm>>
      %dma_start3A_33 = tpu.memref_slice %arg3[%run_scoped3A_7, %mul3A_6] : memref<2x6400000xi32, #tpu.memory_space<hbm>> -> memref<1x4000xi32, #tpu.memory_space<hbm>>
      %dma_start3A_34 = tpu.memref_squeeze %dma_start3A_33 : memref<1x4000xi32, #tpu.memory_space<hbm>> -> memref<4000xi32, #tpu.memory_space<hbm>>
      tpu.enqueue_dma source(%dma_start3A_34 : memref<4000xi32, #tpu.memory_space<hbm>>) target(%arg8 : memref<4000xi32, #tpu.memory_space<vmem>>) target_semaphore(%run_scoped3A_30 : memref<!tpu.dma_semaphore, #tpu.memory_space<semaphore_mem>>)
      %dma_wait3A_35 = tpu.memref_slice %arg3[%run_scoped3A_7, %mul3A_6] : memref<2x6400000xi32, #tpu.memory_space<hbm>> -> memref<1x4000xi32, #tpu.memory_space<hbm>>
      %dma_wait3A_36 = tpu.memref_squeeze %dma_wait3A_35 : memref<1x4000xi32, #tpu.memory_space<hbm>> -> memref<4000xi32, #tpu.memory_space<hbm>>
      %dma_wait3A_37 = tpu.memref_slice %arg3[%run_scoped3A_7, %mul3A_6] : memref<2x6400000xi32, #tpu.memory_space<hbm>> -> memref<1x4000xi32, #tpu.memory_space<hbm>>
      %dma_wait3A_38 = tpu.memref_squeeze %dma_wait3A_37 : memref<1x4000xi32, #tpu.memory_space<hbm>> -> memref<4000xi32, #tpu.memory_space<hbm>>
      tpu.wait_dma2 semaphore(%run_scoped3A_30 : memref<!tpu.dma_semaphore, #tpu.memory_space<semaphore_mem>>) src(%dma_wait3A_38 : memref<4000xi32, #tpu.memory_space<hbm>>) dst(%arg8 : memref<4000xi32, #tpu.memory_space<vmem>>)
      tpu.yield
    }) : () -> ()
    %dma_start3A = arith.constant 0 : i32
    %dma_start3A_8 = arith.constant 0 : i32
    %dma_start3A_9 = tpu.memref_slice %arg2[%dma_start3A, %dma_start3A_8] : memref<100000x8xf32, #tpu.memory_space<hbm>> -> memref<100000x8xf32, #tpu.memory_space<hbm>>
    tpu.enqueue_indirect_dma source(%dma_start3A_9 : memref<100000x8xf32, #tpu.memory_space<hbm>>) target(%arg10 : memref<4000x8xf32, #tpu.memory_space<vmem>>) offsets(%arg6 : memref<4000xi32, #tpu.memory_space<vmem>>) semaphore(%arg13 : memref<!tpu.dma_semaphore, #tpu.memory_space<semaphore_mem>>)
    %scan3A = arith.constant 0 : i32
    %scan3A_10 = arith.constant 0 : i32
    %scan3A_11 = arith.constant 25 : i32
    %scan3A_12 = arith.addi %scan3A_10, %scan3A_11 : i32
    %scan3A_13 = arith.constant 1 : i32
    scf.for %scan3A_30 = %scan3A_10 to %scan3A_12 step %scan3A_13  : i32 {
      %mul3A_31 = arith.constant 2 : i32
      %mul3A_32 = arith.muli %scan3A_30, %mul3A_31 : i32
      %add3A_33 = arith.constant 0 : i32
      %add3A_34 = arith.addi %mul3A_32, %add3A_33 : i32
      %add3A_35 = arith.constant 1 : i32
      %add3A_36 = arith.addi %add3A_34, %add3A_35 : i32
      %gt3A = arith.constant 0 : i32
      %gt3A_37 = arith.cmpi sgt, %scan3A_30, %gt3A : i32
      %convert_element_type3A_38 = arith.extui %gt3A_37 : i1 to i32
      %cond3A_39 = arith.constant 0 : i32
      %cond3A_40 = arith.cmpi ne, %convert_element_type3A_38, %cond3A_39 : i32
      scf.if %cond3A_40 {
        %dma_wait3A_71 = arith.constant 0 : i32
        %dma_wait3A_72 = arith.constant 0 : i32
        %dma_wait3A_73 = tpu.memref_slice %arg12[%dma_wait3A_71, %dma_wait3A_72] : memref<100000x8xf32, #tpu.memory_space<vmem_shared>> -> memref<100000x8xf32, #tpu.memory_space<vmem_shared>>
        tpu.wait_indirect_dma semaphore(%arg16 : memref<!tpu.dma_semaphore, #tpu.memory_space<semaphore_mem>>) src(%arg11 : memref<4000x8xf32, #tpu.memory_space<vmem>>) dst(%dma_wait3A_73 : memref<100000x8xf32, #tpu.memory_space<vmem_shared>>)
      } else {
      }
      %mul3A_41 = arith.constant 4000 : i32
      %mul3A_42 = arith.muli %add3A_36, %mul3A_41 : i32
      %add3A_43 = arith.addi %mul3A_6, %mul3A_42 : i32
      %run_scoped3A_44 = arith.constant 0 : i32
      "tpu.region"() ({
        %run_scoped3A_71 = tpu.sem_alloc : memref<!tpu.dma_semaphore, #tpu.memory_space<semaphore_mem>>
        %dma_start3A_72 = tpu.memref_slice %arg3[%run_scoped3A_44, %add3A_43] : memref<2x6400000xi32, #tpu.memory_space<hbm>> -> memref<1x4000xi32, #tpu.memory_space<hbm>>
        %dma_start3A_73 = tpu.memref_squeeze %dma_start3A_72 : memref<1x4000xi32, #tpu.memory_space<hbm>> -> memref<4000xi32, #tpu.memory_space<hbm>>
        %dma_start3A_74 = tpu.memref_slice %arg3[%run_scoped3A_44, %add3A_43] : memref<2x6400000xi32, #tpu.memory_space<hbm>> -> memref<1x4000xi32, #tpu.memory_space<hbm>>
        %dma_start3A_75 = tpu.memref_squeeze %dma_start3A_74 : memref<1x4000xi32, #tpu.memory_space<hbm>> -> memref<4000xi32, #tpu.memory_space<hbm>>
        tpu.enqueue_dma source(%dma_start3A_75 : memref<4000xi32, #tpu.memory_space<hbm>>) target(%arg7 : memref<4000xi32, #tpu.memory_space<vmem>>) target_semaphore(%run_scoped3A_71 : memref<!tpu.dma_semaphore, #tpu.memory_space<semaphore_mem>>)
        %dma_wait3A_76 = tpu.memref_slice %arg3[%run_scoped3A_44, %add3A_43] : memref<2x6400000xi32, #tpu.memory_space<hbm>> -> memref<1x4000xi32, #tpu.memory_space<hbm>>
        %dma_wait3A_77 = tpu.memref_squeeze %dma_wait3A_76 : memref<1x4000xi32, #tpu.memory_space<hbm>> -> memref<4000xi32, #tpu.memory_space<hbm>>
        %dma_wait3A_78 = tpu.memref_slice %arg3[%run_scoped3A_44, %add3A_43] : memref<2x6400000xi32, #tpu.memory_space<hbm>> -> memref<1x4000xi32, #tpu.memory_space<hbm>>
        %dma_wait3A_79 = tpu.memref_squeeze %dma_wait3A_78 : memref<1x4000xi32, #tpu.memory_space<hbm>> -> memref<4000xi32, #tpu.memory_space<hbm>>
        tpu.wait_dma2 semaphore(%run_scoped3A_71 : memref<!tpu.dma_semaphore, #tpu.memory_space<semaphore_mem>>) src(%dma_wait3A_79 : memref<4000xi32, #tpu.memory_space<hbm>>) dst(%arg7 : memref<4000xi32, #tpu.memory_space<vmem>>)
        tpu.yield
      }) : () -> ()
      %run_scoped3A_45 = arith.constant 1 : i32
      "tpu.region"() ({
        %run_scoped3A_71 = tpu.sem_alloc : memref<!tpu.dma_semaphore, #tpu.memory_space<semaphore_mem>>
        %dma_start3A_72 = tpu.memref_slice %arg3[%run_scoped3A_45, %add3A_43] : memref<2x6400000xi32, #tpu.memory_space<hbm>> -> memref<1x4000xi32, #tpu.memory_space<hbm>>
        %dma_start3A_73 = tpu.memref_squeeze %dma_start3A_72 : memref<1x4000xi32, #tpu.memory_space<hbm>> -> memref<4000xi32, #tpu.memory_space<hbm>>
        %dma_start3A_74 = tpu.memref_slice %arg3[%run_scoped3A_45, %add3A_43] : memref<2x6400000xi32, #tpu.memory_space<hbm>> -> memref<1x4000xi32, #tpu.memory_space<hbm>>
        %dma_start3A_75 = tpu.memref_squeeze %dma_start3A_74 : memref<1x4000xi32, #tpu.memory_space<hbm>> -> memref<4000xi32, #tpu.memory_space<hbm>>
        tpu.enqueue_dma source(%dma_start3A_75 : memref<4000xi32, #tpu.memory_space<hbm>>) target(%arg9 : memref<4000xi32, #tpu.memory_space<vmem>>) target_semaphore(%run_scoped3A_71 : memref<!tpu.dma_semaphore, #tpu.memory_space<semaphore_mem>>)
        %dma_wait3A_76 = tpu.memref_slice %arg3[%run_scoped3A_45, %add3A_43] : memref<2x6400000xi32, #tpu.memory_space<hbm>> -> memref<1x4000xi32, #tpu.memory_space<hbm>>
        %dma_wait3A_77 = tpu.memref_squeeze %dma_wait3A_76 : memref<1x4000xi32, #tpu.memory_space<hbm>> -> memref<4000xi32, #tpu.memory_space<hbm>>
        %dma_wait3A_78 = tpu.memref_slice %arg3[%run_scoped3A_45, %add3A_43] : memref<2x6400000xi32, #tpu.memory_space<hbm>> -> memref<1x4000xi32, #tpu.memory_space<hbm>>
        %dma_wait3A_79 = tpu.memref_squeeze %dma_wait3A_78 : memref<1x4000xi32, #tpu.memory_space<hbm>> -> memref<4000xi32, #tpu.memory_space<hbm>>
        tpu.wait_dma2 semaphore(%run_scoped3A_71 : memref<!tpu.dma_semaphore, #tpu.memory_space<semaphore_mem>>) src(%dma_wait3A_79 : memref<4000xi32, #tpu.memory_space<hbm>>) dst(%arg9 : memref<4000xi32, #tpu.memory_space<vmem>>)
        tpu.yield
      }) : () -> ()
      %dma_start3A_46 = arith.constant 0 : i32
      %dma_start3A_47 = arith.constant 0 : i32
      %dma_start3A_48 = tpu.memref_slice %arg2[%dma_start3A_46, %dma_start3A_47] : memref<100000x8xf32, #tpu.memory_space<hbm>> -> memref<100000x8xf32, #tpu.memory_space<hbm>>
      tpu.enqueue_indirect_dma source(%dma_start3A_48 : memref<100000x8xf32, #tpu.memory_space<hbm>>) target(%arg11 : memref<4000x8xf32, #tpu.memory_space<vmem>>) offsets(%arg7 : memref<4000xi32, #tpu.memory_space<vmem>>) semaphore(%arg14 : memref<!tpu.dma_semaphore, #tpu.memory_space<semaphore_mem>>)
      %dma_wait3A_49 = arith.constant 0 : i32
      %dma_wait3A_50 = arith.constant 0 : i32
      %dma_wait3A_51 = tpu.memref_slice %arg2[%dma_wait3A_49, %dma_wait3A_50] : memref<100000x8xf32, #tpu.memory_space<hbm>> -> memref<100000x8xf32, #tpu.memory_space<hbm>>
      tpu.wait_indirect_dma semaphore(%arg13 : memref<!tpu.dma_semaphore, #tpu.memory_space<semaphore_mem>>) src(%dma_wait3A_51 : memref<100000x8xf32, #tpu.memory_space<hbm>>) dst(%arg10 : memref<4000x8xf32, #tpu.memory_space<vmem>>)
      %dma_start3A_52 = arith.constant 0 : i32
      %dma_start3A_53 = arith.constant 0 : i32
      %dma_start3A_54 = tpu.memref_slice %arg12[%dma_start3A_52, %dma_start3A_53] : memref<100000x8xf32, #tpu.memory_space<vmem_shared>> -> memref<100000x8xf32, #tpu.memory_space<vmem_shared>>
      tpu.enqueue_indirect_dma source(%arg10 : memref<4000x8xf32, #tpu.memory_space<vmem>>) target(%dma_start3A_54 : memref<100000x8xf32, #tpu.memory_space<vmem_shared>>) offsets(%arg8 : memref<4000xi32, #tpu.memory_space<vmem>>) semaphore(%arg15 : memref<!tpu.dma_semaphore, #tpu.memory_space<semaphore_mem>>) {add = true}
      %mul3A_55 = arith.constant 2 : i32
      %mul3A_56 = arith.muli %scan3A_30, %mul3A_55 : i32
      %add3A_57 = arith.constant 1 : i32
      %add3A_58 = arith.addi %mul3A_56, %add3A_57 : i32
      %add3A_59 = arith.constant 1 : i32
      %add3A_60 = arith.addi %add3A_58, %add3A_59 : i32
      %lt3A = arith.constant 50 : i32
      %lt3A_61 = arith.cmpi slt, %add3A_60, %lt3A : i32
      %convert_element_type3A_62 = arith.extui %lt3A_61 : i1 to i32
      %cond3A_63 = arith.constant 0 : i32
      %cond3A_64 = arith.cmpi ne, %convert_element_type3A_62, %cond3A_63 : i32
      scf.if %cond3A_64 {
        %dma_wait3A_71 = arith.constant 0 : i32
        %dma_wait3A_72 = arith.constant 0 : i32
        %dma_wait3A_73 = tpu.memref_slice %arg12[%dma_wait3A_71, %dma_wait3A_72] : memref<100000x8xf32, #tpu.memory_space<vmem_shared>> -> memref<100000x8xf32, #tpu.memory_space<vmem_shared>>
        tpu.wait_indirect_dma semaphore(%arg15 : memref<!tpu.dma_semaphore, #tpu.memory_space<semaphore_mem>>) src(%arg10 : memref<4000x8xf32, #tpu.memory_space<vmem>>) dst(%dma_wait3A_73 : memref<100000x8xf32, #tpu.memory_space<vmem_shared>>)
        %mul3A_74 = arith.constant 4000 : i32
        %mul3A_75 = arith.muli %add3A_60, %mul3A_74 : i32
        %add3A_76 = arith.addi %mul3A_6, %mul3A_75 : i32
        %run_scoped3A_77 = arith.constant 0 : i32
        "tpu.region"() ({
          %run_scoped3A_82 = tpu.sem_alloc : memref<!tpu.dma_semaphore, #tpu.memory_space<semaphore_mem>>
          %dma_start3A_83 = tpu.memref_slice %arg3[%run_scoped3A_77, %add3A_76] : memref<2x6400000xi32, #tpu.memory_space<hbm>> -> memref<1x4000xi32, #tpu.memory_space<hbm>>
          %dma_start3A_84 = tpu.memref_squeeze %dma_start3A_83 : memref<1x4000xi32, #tpu.memory_space<hbm>> -> memref<4000xi32, #tpu.memory_space<hbm>>
          %dma_start3A_85 = tpu.memref_slice %arg3[%run_scoped3A_77, %add3A_76] : memref<2x6400000xi32, #tpu.memory_space<hbm>> -> memref<1x4000xi32, #tpu.memory_space<hbm>>
          %dma_start3A_86 = tpu.memref_squeeze %dma_start3A_85 : memref<1x4000xi32, #tpu.memory_space<hbm>> -> memref<4000xi32, #tpu.memory_space<hbm>>
          tpu.enqueue_dma source(%dma_start3A_86 : memref<4000xi32, #tpu.memory_space<hbm>>) target(%arg6 : memref<4000xi32, #tpu.memory_space<vmem>>) target_semaphore(%run_scoped3A_82 : memref<!tpu.dma_semaphore, #tpu.memory_space<semaphore_mem>>)
          %dma_wait3A_87 = tpu.memref_slice %arg3[%run_scoped3A_77, %add3A_76] : memref<2x6400000xi32, #tpu.memory_space<hbm>> -> memref<1x4000xi32, #tpu.memory_space<hbm>>
          %dma_wait3A_88 = tpu.memref_squeeze %dma_wait3A_87 : memref<1x4000xi32, #tpu.memory_space<hbm>> -> memref<4000xi32, #tpu.memory_space<hbm>>
          %dma_wait3A_89 = tpu.memref_slice %arg3[%run_scoped3A_77, %add3A_76] : memref<2x6400000xi32, #tpu.memory_space<hbm>> -> memref<1x4000xi32, #tpu.memory_space<hbm>>
          %dma_wait3A_90 = tpu.memref_squeeze %dma_wait3A_89 : memref<1x4000xi32, #tpu.memory_space<hbm>> -> memref<4000xi32, #tpu.memory_space<hbm>>
          tpu.wait_dma2 semaphore(%run_scoped3A_82 : memref<!tpu.dma_semaphore, #tpu.memory_space<semaphore_mem>>) src(%dma_wait3A_90 : memref<4000xi32, #tpu.memory_space<hbm>>) dst(%arg6 : memref<4000xi32, #tpu.memory_space<vmem>>)
          tpu.yield
        }) : () -> ()
        %run_scoped3A_78 = arith.constant 1 : i32
        "tpu.region"() ({
          %run_scoped3A_82 = tpu.sem_alloc : memref<!tpu.dma_semaphore, #tpu.memory_space<semaphore_mem>>
          %dma_start3A_83 = tpu.memref_slice %arg3[%run_scoped3A_78, %add3A_76] : memref<2x6400000xi32, #tpu.memory_space<hbm>> -> memref<1x4000xi32, #tpu.memory_space<hbm>>
          %dma_start3A_84 = tpu.memref_squeeze %dma_start3A_83 : memref<1x4000xi32, #tpu.memory_space<hbm>> -> memref<4000xi32, #tpu.memory_space<hbm>>
          %dma_start3A_85 = tpu.memref_slice %arg3[%run_scoped3A_78, %add3A_76] : memref<2x6400000xi32, #tpu.memory_space<hbm>> -> memref<1x4000xi32, #tpu.memory_space<hbm>>
          %dma_start3A_86 = tpu.memref_squeeze %dma_start3A_85 : memref<1x4000xi32, #tpu.memory_space<hbm>> -> memref<4000xi32, #tpu.memory_space<hbm>>
          tpu.enqueue_dma source(%dma_start3A_86 : memref<4000xi32, #tpu.memory_space<hbm>>) target(%arg8 : memref<4000xi32, #tpu.memory_space<vmem>>) target_semaphore(%run_scoped3A_82 : memref<!tpu.dma_semaphore, #tpu.memory_space<semaphore_mem>>)
          %dma_wait3A_87 = tpu.memref_slice %arg3[%run_scoped3A_78, %add3A_76] : memref<2x6400000xi32, #tpu.memory_space<hbm>> -> memref<1x4000xi32, #tpu.memory_space<hbm>>
          %dma_wait3A_88 = tpu.memref_squeeze %dma_wait3A_87 : memref<1x4000xi32, #tpu.memory_space<hbm>> -> memref<4000xi32, #tpu.memory_space<hbm>>
          %dma_wait3A_89 = tpu.memref_slice %arg3[%run_scoped3A_78, %add3A_76] : memref<2x6400000xi32, #tpu.memory_space<hbm>> -> memref<1x4000xi32, #tpu.memory_space<hbm>>
          %dma_wait3A_90 = tpu.memref_squeeze %dma_wait3A_89 : memref<1x4000xi32, #tpu.memory_space<hbm>> -> memref<4000xi32, #tpu.memory_space<hbm>>
          tpu.wait_dma2 semaphore(%run_scoped3A_82 : memref<!tpu.dma_semaphore, #tpu.memory_space<semaphore_mem>>) src(%dma_wait3A_90 : memref<4000xi32, #tpu.memory_space<hbm>>) dst(%arg8 : memref<4000xi32, #tpu.memory_space<vmem>>)
          tpu.yield
        }) : () -> ()
        %dma_start3A_79 = arith.constant 0 : i32
        %dma_start3A_80 = arith.constant 0 : i32
        %dma_start3A_81 = tpu.memref_slice %arg2[%dma_start3A_79, %dma_start3A_80] : memref<100000x8xf32, #tpu.memory_space<hbm>> -> memref<100000x8xf32, #tpu.memory_space<hbm>>
        tpu.enqueue_indirect_dma source(%dma_start3A_81 : memref<100000x8xf32, #tpu.memory_space<hbm>>) target(%arg10 : memref<4000x8xf32, #tpu.memory_space<vmem>>) offsets(%arg6 : memref<4000xi32, #tpu.memory_space<vmem>>) semaphore(%arg13 : memref<!tpu.dma_semaphore, #tpu.memory_space<semaphore_mem>>)
      } else {
      }
      %dma_wait3A_65 = arith.constant 0 : i32
      %dma_wait3A_66 = arith.constant 0 : i32
      %dma_wait3A_67 = tpu.memref_slice %arg2[%dma_wait3A_65, %dma_wait3A_66] : memref<100000x8xf32, #tpu.memory_space<hbm>> -> memref<100000x8xf32, #tpu.memory_space<hbm>>
      tpu.wait_indirect_dma semaphore(%arg14 : memref<!tpu.dma_semaphore, #tpu.memory_space<semaphore_mem>>) src(%dma_wait3A_67 : memref<100000x8xf32, #tpu.memory_space<hbm>>) dst(%arg11 : memref<4000x8xf32, #tpu.memory_space<vmem>>)
      %dma_start3A_68 = arith.constant 0 : i32
      %dma_start3A_69 = arith.constant 0 : i32
      %dma_start3A_70 = tpu.memref_slice %arg12[%dma_start3A_68, %dma_start3A_69] : memref<100000x8xf32, #tpu.memory_space<vmem_shared>> -> memref<100000x8xf32, #tpu.memory_space<vmem_shared>>
      tpu.enqueue_indirect_dma source(%arg11 : memref<4000x8xf32, #tpu.memory_space<vmem>>) target(%dma_start3A_70 : memref<100000x8xf32, #tpu.memory_space<vmem_shared>>) offsets(%arg9 : memref<4000xi32, #tpu.memory_space<vmem>>) semaphore(%arg16 : memref<!tpu.dma_semaphore, #tpu.memory_space<semaphore_mem>>) {add = true}
    }
    %scan3A_14 = arith.constant 25 : i32
    %dma_wait3A = arith.constant 0 : i32
    %dma_wait3A_15 = arith.constant 0 : i32
    %dma_wait3A_16 = tpu.memref_slice %arg12[%dma_wait3A, %dma_wait3A_15] : memref<100000x8xf32, #tpu.memory_space<vmem_shared>> -> memref<100000x8xf32, #tpu.memory_space<vmem_shared>>
    tpu.wait_indirect_dma semaphore(%arg15 : memref<!tpu.dma_semaphore, #tpu.memory_space<semaphore_mem>>) src(%arg10 : memref<4000x8xf32, #tpu.memory_space<vmem>>) dst(%dma_wait3A_16 : memref<100000x8xf32, #tpu.memory_space<vmem_shared>>)
    %dma_wait3A_17 = arith.constant 0 : i32
    %dma_wait3A_18 = arith.constant 0 : i32
    %dma_wait3A_19 = tpu.memref_slice %arg12[%dma_wait3A_17, %dma_wait3A_18] : memref<100000x8xf32, #tpu.memory_space<vmem_shared>> -> memref<100000x8xf32, #tpu.memory_space<vmem_shared>>
    tpu.wait_indirect_dma semaphore(%arg16 : memref<!tpu.dma_semaphore, #tpu.memory_space<semaphore_mem>>) src(%arg11 : memref<4000x8xf32, #tpu.memory_space<vmem>>) dst(%dma_wait3A_19 : memref<100000x8xf32, #tpu.memory_space<vmem_shared>>)
    %barrier3A_20 = arith.constant 0 : index
    tpu.barrier barrier_id(%barrier3A_20)
    %mul3A_21 = arith.constant 6248 : i32
    %mul3A_22 = arith.muli %arg1, %mul3A_21 : i32
    %mul3A_23 = arith.constant 6248 : i32
    %mul3A_24 = arith.muli %arg1, %mul3A_23 : i32
    "tpu.region"() ({
      %run_scoped3A_30 = tpu.sem_alloc : memref<!tpu.dma_semaphore, #tpu.memory_space<semaphore_mem>>
      %dma_start3A_31 = arith.constant 0 : i32
      %dma_start3A_32 = tpu.memref_slice %arg5[%arg0, %mul3A_24, %dma_start3A_31] : memref<2x100000x8xf32, #tpu.memory_space<hbm>> -> memref<1x6248x8xf32, #tpu.memory_space<hbm>>
      %dma_start3A_33 = tpu.memref_squeeze %dma_start3A_32 : memref<1x6248x8xf32, #tpu.memory_space<hbm>> -> memref<6248x8xf32, #tpu.memory_space<hbm>>
      %dma_start3A_34 = arith.constant 0 : i32
      %dma_start3A_35 = tpu.memref_slice %arg12[%mul3A_22, %dma_start3A_34] : memref<100000x8xf32, #tpu.memory_space<vmem_shared>> -> memref<6248x8xf32, #tpu.memory_space<vmem_shared>>
      tpu.enqueue_dma source(%dma_start3A_35 : memref<6248x8xf32, #tpu.memory_space<vmem_shared>>) target(%dma_start3A_33 : memref<6248x8xf32, #tpu.memory_space<hbm>>) target_semaphore(%run_scoped3A_30 : memref<!tpu.dma_semaphore, #tpu.memory_space<semaphore_mem>>)
      %dma_wait3A_36 = arith.constant 0 : i32
      %dma_wait3A_37 = tpu.memref_slice %arg5[%arg0, %mul3A_24, %dma_wait3A_36] : memref<2x100000x8xf32, #tpu.memory_space<hbm>> -> memref<1x6248x8xf32, #tpu.memory_space<hbm>>
      %dma_wait3A_38 = tpu.memref_squeeze %dma_wait3A_37 : memref<1x6248x8xf32, #tpu.memory_space<hbm>> -> memref<6248x8xf32, #tpu.memory_space<hbm>>
      %dma_wait3A_39 = arith.constant 0 : i32
      %dma_wait3A_40 = tpu.memref_slice %arg12[%mul3A_22, %dma_wait3A_39] : memref<100000x8xf32, #tpu.memory_space<vmem_shared>> -> memref<6248x8xf32, #tpu.memory_space<vmem_shared>>
      tpu.wait_dma2 semaphore(%run_scoped3A_30 : memref<!tpu.dma_semaphore, #tpu.memory_space<semaphore_mem>>) src(%dma_wait3A_40 : memref<6248x8xf32, #tpu.memory_space<vmem_shared>>) dst(%dma_wait3A_38 : memref<6248x8xf32, #tpu.memory_space<hbm>>)
      tpu.yield
    }) : () -> ()
    %eq3A_25 = arith.constant 15 : i32
    %eq3A_26 = arith.cmpi eq, %arg1, %eq3A_25 : i32
    %convert_element_type3A_27 = arith.extui %eq3A_26 : i1 to i32
    %cond3A_28 = arith.constant 0 : i32
    %cond3A_29 = arith.cmpi ne, %convert_element_type3A_27, %cond3A_28 : i32
    scf.if %cond3A_29 {
      "tpu.region"() ({
        %run_scoped3A_30 = tpu.sem_alloc : memref<!tpu.dma_semaphore, #tpu.memory_space<semaphore_mem>>
        %dma_start3A_31 = arith.constant 99968 : i32
        %dma_start3A_32 = arith.constant 0 : i32
        %dma_start3A_33 = tpu.memref_slice %arg5[%arg0, %dma_start3A_31, %dma_start3A_32] : memref<2x100000x8xf32, #tpu.memory_space<hbm>> -> memref<1x32x8xf32, #tpu.memory_space<hbm>>
        %dma_start3A_34 = tpu.memref_squeeze %dma_start3A_33 : memref<1x32x8xf32, #tpu.memory_space<hbm>> -> memref<32x8xf32, #tpu.memory_space<hbm>>
        %dma_start3A_35 = arith.constant 99968 : i32
        %dma_start3A_36 = arith.constant 0 : i32
        %dma_start3A_37 = tpu.memref_slice %arg12[%dma_start3A_35, %dma_start3A_36] : memref<100000x8xf32, #tpu.memory_space<vmem_shared>> -> memref<32x8xf32, #tpu.memory_space<vmem_shared>>
        tpu.enqueue_dma source(%dma_start3A_37 : memref<32x8xf32, #tpu.memory_space<vmem_shared>>) target(%dma_start3A_34 : memref<32x8xf32, #tpu.memory_space<hbm>>) target_semaphore(%run_scoped3A_30 : memref<!tpu.dma_semaphore, #tpu.memory_space<semaphore_mem>>)
        %dma_wait3A_38 = arith.constant 99968 : i32
        %dma_wait3A_39 = arith.constant 0 : i32
        %dma_wait3A_40 = tpu.memref_slice %arg5[%arg0, %dma_wait3A_38, %dma_wait3A_39] : memref<2x100000x8xf32, #tpu.memory_space<hbm>> -> memref<1x32x8xf32, #tpu.memory_space<hbm>>
        %dma_wait3A_41 = tpu.memref_squeeze %dma_wait3A_40 : memref<1x32x8xf32, #tpu.memory_space<hbm>> -> memref<32x8xf32, #tpu.memory_space<hbm>>
        %dma_wait3A_42 = arith.constant 99968 : i32
        %dma_wait3A_43 = arith.constant 0 : i32
        %dma_wait3A_44 = tpu.memref_slice %arg12[%dma_wait3A_42, %dma_wait3A_43] : memref<100000x8xf32, #tpu.memory_space<vmem_shared>> -> memref<32x8xf32, #tpu.memory_space<vmem_shared>>
        tpu.wait_dma2 semaphore(%run_scoped3A_30 : memref<!tpu.dma_semaphore, #tpu.memory_space<semaphore_mem>>) src(%dma_wait3A_44 : memref<32x8xf32, #tpu.memory_space<vmem_shared>>) dst(%dma_wait3A_41 : memref<32x8xf32, #tpu.memory_space<hbm>>)
        tpu.yield
      }) : () -> ()
    } else {
    }
    return
  }
}

#map = affine_map<(d0, d1) -> (0, 0)>
#map1 = affine_map<(d0, d1) -> (0, 0, 0)>
module attributes {stable_mosaic.version = 14 : i64} {
  func.func @_agg_body(%arg0: i32, %arg1: i32, %arg2: memref<100000x8xf32, #tpu.memory_space<hbm>>, %arg3: memref<2x6400000xi32, #tpu.memory_space<hbm>>, %arg4: memref<6248x8xf32, #tpu.memory_space<hbm>>, %arg5: memref<2x100000x8xf32, #tpu.memory_space<hbm>>, %arg6: memref<4000xi32, #tpu.memory_space<vmem>>, %arg7: memref<4000xi32, #tpu.memory_space<vmem>>, %arg8: memref<4000xi32, #tpu.memory_space<vmem>>, %arg9: memref<4000xi32, #tpu.memory_space<vmem>>, %arg10: memref<4000x8xf32, #tpu.memory_space<vmem>>, %arg11: memref<4000x8xf32, #tpu.memory_space<vmem>>, %arg12: memref<100000x8xf32, #tpu.memory_space<vmem_shared>>, %arg13: memref<!tpu.dma_semaphore, #tpu.memory_space<semaphore_mem>>, %arg14: memref<!tpu.dma_semaphore, #tpu.memory_space<semaphore_mem>>, %arg15: memref<!tpu.dma_semaphore, #tpu.memory_space<semaphore_mem>>, %arg16: memref<!tpu.dma_semaphore, #tpu.memory_space<semaphore_mem>>) attributes {dimension_semantics = [#tpu.dimension_semantics<core_parallel>, #tpu.dimension_semantics<subcore_parallel>], iteration_bounds = array<i64: 2, 16>, scalar_prefetch = 0 : i64, scratch_operands = 11 : i64, tpu.core_type = #tpu.core_type<sc_vector_subcore>, window_params = [{transform_indices = #map}, {transform_indices = #map}, {transform_indices = #map}, {transform_indices = #map1}]} {
    %mul3A = arith.constant 6248 : i32
    %mul3A_0 = arith.muli %arg1, %mul3A : i32
    "tpu.region"() ({
      %run_scoped3A_30 = tpu.sem_alloc : memref<!tpu.dma_semaphore, #tpu.memory_space<semaphore_mem>>
      %dma_start3A_31 = arith.constant 0 : i32
      %dma_start3A_32 = tpu.memref_slice %arg12[%mul3A_0, %dma_start3A_31] : memref<100000x8xf32, #tpu.memory_space<vmem_shared>> -> memref<6248x8xf32, #tpu.memory_space<vmem_shared>>
      %dma_start3A_33 = arith.constant 0 : i32
      %dma_start3A_34 = arith.constant 0 : i32
      %dma_start3A_35 = tpu.memref_slice %arg4[%dma_start3A_33, %dma_start3A_34] : memref<6248x8xf32, #tpu.memory_space<hbm>> -> memref<6248x8xf32, #tpu.memory_space<hbm>>
      tpu.enqueue_dma source(%dma_start3A_35 : memref<6248x8xf32, #tpu.memory_space<hbm>>) target(%dma_start3A_32 : memref<6248x8xf32, #tpu.memory_space<vmem_shared>>) target_semaphore(%run_scoped3A_30 : memref<!tpu.dma_semaphore, #tpu.memory_space<semaphore_mem>>)
      %dma_wait3A_36 = arith.constant 0 : i32
      %dma_wait3A_37 = tpu.memref_slice %arg12[%mul3A_0, %dma_wait3A_36] : memref<100000x8xf32, #tpu.memory_space<vmem_shared>> -> memref<6248x8xf32, #tpu.memory_space<vmem_shared>>
      %dma_wait3A_38 = arith.constant 0 : i32
      %dma_wait3A_39 = arith.constant 0 : i32
      %dma_wait3A_40 = tpu.memref_slice %arg4[%dma_wait3A_38, %dma_wait3A_39] : memref<6248x8xf32, #tpu.memory_space<hbm>> -> memref<6248x8xf32, #tpu.memory_space<hbm>>
      tpu.wait_dma2 semaphore(%run_scoped3A_30 : memref<!tpu.dma_semaphore, #tpu.memory_space<semaphore_mem>>) src(%dma_wait3A_40 : memref<6248x8xf32, #tpu.memory_space<hbm>>) dst(%dma_wait3A_37 : memref<6248x8xf32, #tpu.memory_space<vmem_shared>>)
      tpu.yield
    }) : () -> ()
    %eq3A = arith.constant 15 : i32
    %eq3A_1 = arith.cmpi eq, %arg1, %eq3A : i32
    %convert_element_type3A = arith.extui %eq3A_1 : i1 to i32
    %cond3A = arith.constant 0 : i32
    %cond3A_2 = arith.cmpi ne, %convert_element_type3A, %cond3A : i32
    scf.if %cond3A_2 {
      "tpu.region"() ({
        %run_scoped3A_30 = tpu.sem_alloc : memref<!tpu.dma_semaphore, #tpu.memory_space<semaphore_mem>>
        %dma_start3A_31 = arith.constant 99968 : i32
        %dma_start3A_32 = arith.constant 0 : i32
        %dma_start3A_33 = tpu.memref_slice %arg12[%dma_start3A_31, %dma_start3A_32] : memref<100000x8xf32, #tpu.memory_space<vmem_shared>> -> memref<32x8xf32, #tpu.memory_space<vmem_shared>>
        %dma_start3A_34 = arith.constant 0 : i32
        %dma_start3A_35 = arith.constant 0 : i32
        %dma_start3A_36 = tpu.memref_slice %arg4[%dma_start3A_34, %dma_start3A_35] : memref<6248x8xf32, #tpu.memory_space<hbm>> -> memref<32x8xf32, #tpu.memory_space<hbm>>
        tpu.enqueue_dma source(%dma_start3A_36 : memref<32x8xf32, #tpu.memory_space<hbm>>) target(%dma_start3A_33 : memref<32x8xf32, #tpu.memory_space<vmem_shared>>) target_semaphore(%run_scoped3A_30 : memref<!tpu.dma_semaphore, #tpu.memory_space<semaphore_mem>>)
        %dma_wait3A_37 = arith.constant 99968 : i32
        %dma_wait3A_38 = arith.constant 0 : i32
        %dma_wait3A_39 = tpu.memref_slice %arg12[%dma_wait3A_37, %dma_wait3A_38] : memref<100000x8xf32, #tpu.memory_space<vmem_shared>> -> memref<32x8xf32, #tpu.memory_space<vmem_shared>>
        %dma_wait3A_40 = arith.constant 0 : i32
        %dma_wait3A_41 = arith.constant 0 : i32
        %dma_wait3A_42 = tpu.memref_slice %arg4[%dma_wait3A_40, %dma_wait3A_41] : memref<6248x8xf32, #tpu.memory_space<hbm>> -> memref<32x8xf32, #tpu.memory_space<hbm>>
        tpu.wait_dma2 semaphore(%run_scoped3A_30 : memref<!tpu.dma_semaphore, #tpu.memory_space<semaphore_mem>>) src(%dma_wait3A_42 : memref<32x8xf32, #tpu.memory_space<hbm>>) dst(%dma_wait3A_39 : memref<32x8xf32, #tpu.memory_space<vmem_shared>>)
        tpu.yield
      }) : () -> ()
    } else {
    }
    %barrier3A = arith.constant 0 : index
    tpu.barrier barrier_id(%barrier3A)
    %mul3A_3 = arith.constant 16 : i32
    %mul3A_4 = arith.muli %arg0, %mul3A_3 : i32
    %add3A = arith.addi %mul3A_4, %arg1 : i32
    %mul3A_5 = arith.constant 200000 : i32
    %mul3A_6 = arith.muli %add3A, %mul3A_5 : i32
    %run_scoped3A = arith.constant 0 : i32
    "tpu.region"() ({
      %run_scoped3A_30 = tpu.sem_alloc : memref<!tpu.dma_semaphore, #tpu.memory_space<semaphore_mem>>
      %dma_start3A_31 = tpu.memref_slice %arg3[%run_scoped3A, %mul3A_6] : memref<2x6400000xi32, #tpu.memory_space<hbm>> -> memref<1x4000xi32, #tpu.memory_space<hbm>>
      %dma_start3A_32 = tpu.memref_squeeze %dma_start3A_31 : memref<1x4000xi32, #tpu.memory_space<hbm>> -> memref<4000xi32, #tpu.memory_space<hbm>>
      %dma_start3A_33 = tpu.memref_slice %arg3[%run_scoped3A, %mul3A_6] : memref<2x6400000xi32, #tpu.memory_space<hbm>> -> memref<1x4000xi32, #tpu.memory_space<hbm>>
      %dma_start3A_34 = tpu.memref_squeeze %dma_start3A_33 : memref<1x4000xi32, #tpu.memory_space<hbm>> -> memref<4000xi32, #tpu.memory_space<hbm>>
      tpu.enqueue_dma source(%dma_start3A_34 : memref<4000xi32, #tpu.memory_space<hbm>>) target(%arg6 : memref<4000xi32, #tpu.memory_space<vmem>>) target_semaphore(%run_scoped3A_30 : memref<!tpu.dma_semaphore, #tpu.memory_space<semaphore_mem>>)
      %dma_wait3A_35 = tpu.memref_slice %arg3[%run_scoped3A, %mul3A_6] : memref<2x6400000xi32, #tpu.memory_space<hbm>> -> memref<1x4000xi32, #tpu.memory_space<hbm>>
      %dma_wait3A_36 = tpu.memref_squeeze %dma_wait3A_35 : memref<1x4000xi32, #tpu.memory_space<hbm>> -> memref<4000xi32, #tpu.memory_space<hbm>>
      %dma_wait3A_37 = tpu.memref_slice %arg3[%run_scoped3A, %mul3A_6] : memref<2x6400000xi32, #tpu.memory_space<hbm>> -> memref<1x4000xi32, #tpu.memory_space<hbm>>
      %dma_wait3A_38 = tpu.memref_squeeze %dma_wait3A_37 : memref<1x4000xi32, #tpu.memory_space<hbm>> -> memref<4000xi32, #tpu.memory_space<hbm>>
      tpu.wait_dma2 semaphore(%run_scoped3A_30 : memref<!tpu.dma_semaphore, #tpu.memory_space<semaphore_mem>>) src(%dma_wait3A_38 : memref<4000xi32, #tpu.memory_space<hbm>>) dst(%arg6 : memref<4000xi32, #tpu.memory_space<vmem>>)
      tpu.yield
    }) : () -> ()
    %run_scoped3A_7 = arith.constant 1 : i32
    "tpu.region"() ({
      %run_scoped3A_30 = tpu.sem_alloc : memref<!tpu.dma_semaphore, #tpu.memory_space<semaphore_mem>>
      %dma_start3A_31 = tpu.memref_slice %arg3[%run_scoped3A_7, %mul3A_6] : memref<2x6400000xi32, #tpu.memory_space<hbm>> -> memref<1x4000xi32, #tpu.memory_space<hbm>>
      %dma_start3A_32 = tpu.memref_squeeze %dma_start3A_31 : memref<1x4000xi32, #tpu.memory_space<hbm>> -> memref<4000xi32, #tpu.memory_space<hbm>>
      %dma_start3A_33 = tpu.memref_slice %arg3[%run_scoped3A_7, %mul3A_6] : memref<2x6400000xi32, #tpu.memory_space<hbm>> -> memref<1x4000xi32, #tpu.memory_space<hbm>>
      %dma_start3A_34 = tpu.memref_squeeze %dma_start3A_33 : memref<1x4000xi32, #tpu.memory_space<hbm>> -> memref<4000xi32, #tpu.memory_space<hbm>>
      tpu.enqueue_dma source(%dma_start3A_34 : memref<4000xi32, #tpu.memory_space<hbm>>) target(%arg8 : memref<4000xi32, #tpu.memory_space<vmem>>) target_semaphore(%run_scoped3A_30 : memref<!tpu.dma_semaphore, #tpu.memory_space<semaphore_mem>>)
      %dma_wait3A_35 = tpu.memref_slice %arg3[%run_scoped3A_7, %mul3A_6] : memref<2x6400000xi32, #tpu.memory_space<hbm>> -> memref<1x4000xi32, #tpu.memory_space<hbm>>
      %dma_wait3A_36 = tpu.memref_squeeze %dma_wait3A_35 : memref<1x4000xi32, #tpu.memory_space<hbm>> -> memref<4000xi32, #tpu.memory_space<hbm>>
      %dma_wait3A_37 = tpu.memref_slice %arg3[%run_scoped3A_7, %mul3A_6] : memref<2x6400000xi32, #tpu.memory_space<hbm>> -> memref<1x4000xi32, #tpu.memory_space<hbm>>
      %dma_wait3A_38 = tpu.memref_squeeze %dma_wait3A_37 : memref<1x4000xi32, #tpu.memory_space<hbm>> -> memref<4000xi32, #tpu.memory_space<hbm>>
      tpu.wait_dma2 semaphore(%run_scoped3A_30 : memref<!tpu.dma_semaphore, #tpu.memory_space<semaphore_mem>>) src(%dma_wait3A_38 : memref<4000xi32, #tpu.memory_space<hbm>>) dst(%arg8 : memref<4000xi32, #tpu.memory_space<vmem>>)
      tpu.yield
    }) : () -> ()
    %dma_start3A = arith.constant 0 : i32
    %dma_start3A_8 = arith.constant 0 : i32
    %dma_start3A_9 = tpu.memref_slice %arg2[%dma_start3A, %dma_start3A_8] : memref<100000x8xf32, #tpu.memory_space<hbm>> -> memref<100000x8xf32, #tpu.memory_space<hbm>>
    tpu.enqueue_indirect_dma source(%dma_start3A_9 : memref<100000x8xf32, #tpu.memory_space<hbm>>) target(%arg10 : memref<4000x8xf32, #tpu.memory_space<vmem>>) offsets(%arg6 : memref<4000xi32, #tpu.memory_space<vmem>>) semaphore(%arg13 : memref<!tpu.dma_semaphore, #tpu.memory_space<semaphore_mem>>)
    %scan3A = arith.constant 0 : i32
    %scan3A_10 = arith.constant 0 : i32
    %scan3A_11 = arith.constant 25 : i32
    %scan3A_12 = arith.addi %scan3A_10, %scan3A_11 : i32
    %scan3A_13 = arith.constant 1 : i32
    scf.for %scan3A_30 = %scan3A_10 to %scan3A_12 step %scan3A_13  : i32 {
      %mul3A_31 = arith.constant 2 : i32
      %mul3A_32 = arith.muli %scan3A_30, %mul3A_31 : i32
      %add3A_33 = arith.constant 0 : i32
      %add3A_34 = arith.addi %mul3A_32, %add3A_33 : i32
      %add3A_35 = arith.constant 1 : i32
      %add3A_36 = arith.addi %add3A_34, %add3A_35 : i32
      %gt3A = arith.constant 0 : i32
      %gt3A_37 = arith.cmpi sgt, %scan3A_30, %gt3A : i32
      %convert_element_type3A_38 = arith.extui %gt3A_37 : i1 to i32
      %cond3A_39 = arith.constant 0 : i32
      %cond3A_40 = arith.cmpi ne, %convert_element_type3A_38, %cond3A_39 : i32
      scf.if %cond3A_40 {
        %dma_wait3A_71 = arith.constant 0 : i32
        %dma_wait3A_72 = arith.constant 0 : i32
        %dma_wait3A_73 = tpu.memref_slice %arg12[%dma_wait3A_71, %dma_wait3A_72] : memref<100000x8xf32, #tpu.memory_space<vmem_shared>> -> memref<100000x8xf32, #tpu.memory_space<vmem_shared>>
        tpu.wait_indirect_dma semaphore(%arg16 : memref<!tpu.dma_semaphore, #tpu.memory_space<semaphore_mem>>) src(%arg11 : memref<4000x8xf32, #tpu.memory_space<vmem>>) dst(%dma_wait3A_73 : memref<100000x8xf32, #tpu.memory_space<vmem_shared>>)
      } else {
      }
      %mul3A_41 = arith.constant 4000 : i32
      %mul3A_42 = arith.muli %add3A_36, %mul3A_41 : i32
      %add3A_43 = arith.addi %mul3A_6, %mul3A_42 : i32
      %run_scoped3A_44 = arith.constant 0 : i32
      "tpu.region"() ({
        %run_scoped3A_71 = tpu.sem_alloc : memref<!tpu.dma_semaphore, #tpu.memory_space<semaphore_mem>>
        %dma_start3A_72 = tpu.memref_slice %arg3[%run_scoped3A_44, %add3A_43] : memref<2x6400000xi32, #tpu.memory_space<hbm>> -> memref<1x4000xi32, #tpu.memory_space<hbm>>
        %dma_start3A_73 = tpu.memref_squeeze %dma_start3A_72 : memref<1x4000xi32, #tpu.memory_space<hbm>> -> memref<4000xi32, #tpu.memory_space<hbm>>
        %dma_start3A_74 = tpu.memref_slice %arg3[%run_scoped3A_44, %add3A_43] : memref<2x6400000xi32, #tpu.memory_space<hbm>> -> memref<1x4000xi32, #tpu.memory_space<hbm>>
        %dma_start3A_75 = tpu.memref_squeeze %dma_start3A_74 : memref<1x4000xi32, #tpu.memory_space<hbm>> -> memref<4000xi32, #tpu.memory_space<hbm>>
        tpu.enqueue_dma source(%dma_start3A_75 : memref<4000xi32, #tpu.memory_space<hbm>>) target(%arg7 : memref<4000xi32, #tpu.memory_space<vmem>>) target_semaphore(%run_scoped3A_71 : memref<!tpu.dma_semaphore, #tpu.memory_space<semaphore_mem>>)
        %dma_wait3A_76 = tpu.memref_slice %arg3[%run_scoped3A_44, %add3A_43] : memref<2x6400000xi32, #tpu.memory_space<hbm>> -> memref<1x4000xi32, #tpu.memory_space<hbm>>
        %dma_wait3A_77 = tpu.memref_squeeze %dma_wait3A_76 : memref<1x4000xi32, #tpu.memory_space<hbm>> -> memref<4000xi32, #tpu.memory_space<hbm>>
        %dma_wait3A_78 = tpu.memref_slice %arg3[%run_scoped3A_44, %add3A_43] : memref<2x6400000xi32, #tpu.memory_space<hbm>> -> memref<1x4000xi32, #tpu.memory_space<hbm>>
        %dma_wait3A_79 = tpu.memref_squeeze %dma_wait3A_78 : memref<1x4000xi32, #tpu.memory_space<hbm>> -> memref<4000xi32, #tpu.memory_space<hbm>>
        tpu.wait_dma2 semaphore(%run_scoped3A_71 : memref<!tpu.dma_semaphore, #tpu.memory_space<semaphore_mem>>) src(%dma_wait3A_79 : memref<4000xi32, #tpu.memory_space<hbm>>) dst(%arg7 : memref<4000xi32, #tpu.memory_space<vmem>>)
        tpu.yield
      }) : () -> ()
      %run_scoped3A_45 = arith.constant 1 : i32
      "tpu.region"() ({
        %run_scoped3A_71 = tpu.sem_alloc : memref<!tpu.dma_semaphore, #tpu.memory_space<semaphore_mem>>
        %dma_start3A_72 = tpu.memref_slice %arg3[%run_scoped3A_45, %add3A_43] : memref<2x6400000xi32, #tpu.memory_space<hbm>> -> memref<1x4000xi32, #tpu.memory_space<hbm>>
        %dma_start3A_73 = tpu.memref_squeeze %dma_start3A_72 : memref<1x4000xi32, #tpu.memory_space<hbm>> -> memref<4000xi32, #tpu.memory_space<hbm>>
        %dma_start3A_74 = tpu.memref_slice %arg3[%run_scoped3A_45, %add3A_43] : memref<2x6400000xi32, #tpu.memory_space<hbm>> -> memref<1x4000xi32, #tpu.memory_space<hbm>>
        %dma_start3A_75 = tpu.memref_squeeze %dma_start3A_74 : memref<1x4000xi32, #tpu.memory_space<hbm>> -> memref<4000xi32, #tpu.memory_space<hbm>>
        tpu.enqueue_dma source(%dma_start3A_75 : memref<4000xi32, #tpu.memory_space<hbm>>) target(%arg9 : memref<4000xi32, #tpu.memory_space<vmem>>) target_semaphore(%run_scoped3A_71 : memref<!tpu.dma_semaphore, #tpu.memory_space<semaphore_mem>>)
        %dma_wait3A_76 = tpu.memref_slice %arg3[%run_scoped3A_45, %add3A_43] : memref<2x6400000xi32, #tpu.memory_space<hbm>> -> memref<1x4000xi32, #tpu.memory_space<hbm>>
        %dma_wait3A_77 = tpu.memref_squeeze %dma_wait3A_76 : memref<1x4000xi32, #tpu.memory_space<hbm>> -> memref<4000xi32, #tpu.memory_space<hbm>>
        %dma_wait3A_78 = tpu.memref_slice %arg3[%run_scoped3A_45, %add3A_43] : memref<2x6400000xi32, #tpu.memory_space<hbm>> -> memref<1x4000xi32, #tpu.memory_space<hbm>>
        %dma_wait3A_79 = tpu.memref_squeeze %dma_wait3A_78 : memref<1x4000xi32, #tpu.memory_space<hbm>> -> memref<4000xi32, #tpu.memory_space<hbm>>
        tpu.wait_dma2 semaphore(%run_scoped3A_71 : memref<!tpu.dma_semaphore, #tpu.memory_space<semaphore_mem>>) src(%dma_wait3A_79 : memref<4000xi32, #tpu.memory_space<hbm>>) dst(%arg9 : memref<4000xi32, #tpu.memory_space<vmem>>)
        tpu.yield
      }) : () -> ()
      %dma_start3A_46 = arith.constant 0 : i32
      %dma_start3A_47 = arith.constant 0 : i32
      %dma_start3A_48 = tpu.memref_slice %arg2[%dma_start3A_46, %dma_start3A_47] : memref<100000x8xf32, #tpu.memory_space<hbm>> -> memref<100000x8xf32, #tpu.memory_space<hbm>>
      tpu.enqueue_indirect_dma source(%dma_start3A_48 : memref<100000x8xf32, #tpu.memory_space<hbm>>) target(%arg11 : memref<4000x8xf32, #tpu.memory_space<vmem>>) offsets(%arg7 : memref<4000xi32, #tpu.memory_space<vmem>>) semaphore(%arg14 : memref<!tpu.dma_semaphore, #tpu.memory_space<semaphore_mem>>)
      %dma_wait3A_49 = arith.constant 0 : i32
      %dma_wait3A_50 = arith.constant 0 : i32
      %dma_wait3A_51 = tpu.memref_slice %arg2[%dma_wait3A_49, %dma_wait3A_50] : memref<100000x8xf32, #tpu.memory_space<hbm>> -> memref<100000x8xf32, #tpu.memory_space<hbm>>
      tpu.wait_indirect_dma semaphore(%arg13 : memref<!tpu.dma_semaphore, #tpu.memory_space<semaphore_mem>>) src(%dma_wait3A_51 : memref<100000x8xf32, #tpu.memory_space<hbm>>) dst(%arg10 : memref<4000x8xf32, #tpu.memory_space<vmem>>)
      %dma_start3A_52 = arith.constant 0 : i32
      %dma_start3A_53 = arith.constant 0 : i32
      %dma_start3A_54 = tpu.memref_slice %arg12[%dma_start3A_52, %dma_start3A_53] : memref<100000x8xf32, #tpu.memory_space<vmem_shared>> -> memref<100000x8xf32, #tpu.memory_space<vmem_shared>>
      tpu.enqueue_indirect_dma source(%arg10 : memref<4000x8xf32, #tpu.memory_space<vmem>>) target(%dma_start3A_54 : memref<100000x8xf32, #tpu.memory_space<vmem_shared>>) offsets(%arg8 : memref<4000xi32, #tpu.memory_space<vmem>>) semaphore(%arg15 : memref<!tpu.dma_semaphore, #tpu.memory_space<semaphore_mem>>) {add = true}
      %mul3A_55 = arith.constant 2 : i32
      %mul3A_56 = arith.muli %scan3A_30, %mul3A_55 : i32
      %add3A_57 = arith.constant 1 : i32
      %add3A_58 = arith.addi %mul3A_56, %add3A_57 : i32
      %add3A_59 = arith.constant 1 : i32
      %add3A_60 = arith.addi %add3A_58, %add3A_59 : i32
      %lt3A = arith.constant 50 : i32
      %lt3A_61 = arith.cmpi slt, %add3A_60, %lt3A : i32
      %convert_element_type3A_62 = arith.extui %lt3A_61 : i1 to i32
      %cond3A_63 = arith.constant 0 : i32
      %cond3A_64 = arith.cmpi ne, %convert_element_type3A_62, %cond3A_63 : i32
      scf.if %cond3A_64 {
        %dma_wait3A_71 = arith.constant 0 : i32
        %dma_wait3A_72 = arith.constant 0 : i32
        %dma_wait3A_73 = tpu.memref_slice %arg12[%dma_wait3A_71, %dma_wait3A_72] : memref<100000x8xf32, #tpu.memory_space<vmem_shared>> -> memref<100000x8xf32, #tpu.memory_space<vmem_shared>>
        tpu.wait_indirect_dma semaphore(%arg15 : memref<!tpu.dma_semaphore, #tpu.memory_space<semaphore_mem>>) src(%arg10 : memref<4000x8xf32, #tpu.memory_space<vmem>>) dst(%dma_wait3A_73 : memref<100000x8xf32, #tpu.memory_space<vmem_shared>>)
        %mul3A_74 = arith.constant 4000 : i32
        %mul3A_75 = arith.muli %add3A_60, %mul3A_74 : i32
        %add3A_76 = arith.addi %mul3A_6, %mul3A_75 : i32
        %run_scoped3A_77 = arith.constant 0 : i32
        "tpu.region"() ({
          %run_scoped3A_82 = tpu.sem_alloc : memref<!tpu.dma_semaphore, #tpu.memory_space<semaphore_mem>>
          %dma_start3A_83 = tpu.memref_slice %arg3[%run_scoped3A_77, %add3A_76] : memref<2x6400000xi32, #tpu.memory_space<hbm>> -> memref<1x4000xi32, #tpu.memory_space<hbm>>
          %dma_start3A_84 = tpu.memref_squeeze %dma_start3A_83 : memref<1x4000xi32, #tpu.memory_space<hbm>> -> memref<4000xi32, #tpu.memory_space<hbm>>
          %dma_start3A_85 = tpu.memref_slice %arg3[%run_scoped3A_77, %add3A_76] : memref<2x6400000xi32, #tpu.memory_space<hbm>> -> memref<1x4000xi32, #tpu.memory_space<hbm>>
          %dma_start3A_86 = tpu.memref_squeeze %dma_start3A_85 : memref<1x4000xi32, #tpu.memory_space<hbm>> -> memref<4000xi32, #tpu.memory_space<hbm>>
          tpu.enqueue_dma source(%dma_start3A_86 : memref<4000xi32, #tpu.memory_space<hbm>>) target(%arg6 : memref<4000xi32, #tpu.memory_space<vmem>>) target_semaphore(%run_scoped3A_82 : memref<!tpu.dma_semaphore, #tpu.memory_space<semaphore_mem>>)
          %dma_wait3A_87 = tpu.memref_slice %arg3[%run_scoped3A_77, %add3A_76] : memref<2x6400000xi32, #tpu.memory_space<hbm>> -> memref<1x4000xi32, #tpu.memory_space<hbm>>
          %dma_wait3A_88 = tpu.memref_squeeze %dma_wait3A_87 : memref<1x4000xi32, #tpu.memory_space<hbm>> -> memref<4000xi32, #tpu.memory_space<hbm>>
          %dma_wait3A_89 = tpu.memref_slice %arg3[%run_scoped3A_77, %add3A_76] : memref<2x6400000xi32, #tpu.memory_space<hbm>> -> memref<1x4000xi32, #tpu.memory_space<hbm>>
          %dma_wait3A_90 = tpu.memref_squeeze %dma_wait3A_89 : memref<1x4000xi32, #tpu.memory_space<hbm>> -> memref<4000xi32, #tpu.memory_space<hbm>>
          tpu.wait_dma2 semaphore(%run_scoped3A_82 : memref<!tpu.dma_semaphore, #tpu.memory_space<semaphore_mem>>) src(%dma_wait3A_90 : memref<4000xi32, #tpu.memory_space<hbm>>) dst(%arg6 : memref<4000xi32, #tpu.memory_space<vmem>>)
          tpu.yield
        }) : () -> ()
        %run_scoped3A_78 = arith.constant 1 : i32
        "tpu.region"() ({
          %run_scoped3A_82 = tpu.sem_alloc : memref<!tpu.dma_semaphore, #tpu.memory_space<semaphore_mem>>
          %dma_start3A_83 = tpu.memref_slice %arg3[%run_scoped3A_78, %add3A_76] : memref<2x6400000xi32, #tpu.memory_space<hbm>> -> memref<1x4000xi32, #tpu.memory_space<hbm>>
          %dma_start3A_84 = tpu.memref_squeeze %dma_start3A_83 : memref<1x4000xi32, #tpu.memory_space<hbm>> -> memref<4000xi32, #tpu.memory_space<hbm>>
          %dma_start3A_85 = tpu.memref_slice %arg3[%run_scoped3A_78, %add3A_76] : memref<2x6400000xi32, #tpu.memory_space<hbm>> -> memref<1x4000xi32, #tpu.memory_space<hbm>>
          %dma_start3A_86 = tpu.memref_squeeze %dma_start3A_85 : memref<1x4000xi32, #tpu.memory_space<hbm>> -> memref<4000xi32, #tpu.memory_space<hbm>>
          tpu.enqueue_dma source(%dma_start3A_86 : memref<4000xi32, #tpu.memory_space<hbm>>) target(%arg8 : memref<4000xi32, #tpu.memory_space<vmem>>) target_semaphore(%run_scoped3A_82 : memref<!tpu.dma_semaphore, #tpu.memory_space<semaphore_mem>>)
          %dma_wait3A_87 = tpu.memref_slice %arg3[%run_scoped3A_78, %add3A_76] : memref<2x6400000xi32, #tpu.memory_space<hbm>> -> memref<1x4000xi32, #tpu.memory_space<hbm>>
          %dma_wait3A_88 = tpu.memref_squeeze %dma_wait3A_87 : memref<1x4000xi32, #tpu.memory_space<hbm>> -> memref<4000xi32, #tpu.memory_space<hbm>>
          %dma_wait3A_89 = tpu.memref_slice %arg3[%run_scoped3A_78, %add3A_76] : memref<2x6400000xi32, #tpu.memory_space<hbm>> -> memref<1x4000xi32, #tpu.memory_space<hbm>>
          %dma_wait3A_90 = tpu.memref_squeeze %dma_wait3A_89 : memref<1x4000xi32, #tpu.memory_space<hbm>> -> memref<4000xi32, #tpu.memory_space<hbm>>
          tpu.wait_dma2 semaphore(%run_scoped3A_82 : memref<!tpu.dma_semaphore, #tpu.memory_space<semaphore_mem>>) src(%dma_wait3A_90 : memref<4000xi32, #tpu.memory_space<hbm>>) dst(%arg8 : memref<4000xi32, #tpu.memory_space<vmem>>)
          tpu.yield
        }) : () -> ()
        %dma_start3A_79 = arith.constant 0 : i32
        %dma_start3A_80 = arith.constant 0 : i32
        %dma_start3A_81 = tpu.memref_slice %arg2[%dma_start3A_79, %dma_start3A_80] : memref<100000x8xf32, #tpu.memory_space<hbm>> -> memref<100000x8xf32, #tpu.memory_space<hbm>>
        tpu.enqueue_indirect_dma source(%dma_start3A_81 : memref<100000x8xf32, #tpu.memory_space<hbm>>) target(%arg10 : memref<4000x8xf32, #tpu.memory_space<vmem>>) offsets(%arg6 : memref<4000xi32, #tpu.memory_space<vmem>>) semaphore(%arg13 : memref<!tpu.dma_semaphore, #tpu.memory_space<semaphore_mem>>)
      } else {
      }
      %dma_wait3A_65 = arith.constant 0 : i32
      %dma_wait3A_66 = arith.constant 0 : i32
      %dma_wait3A_67 = tpu.memref_slice %arg2[%dma_wait3A_65, %dma_wait3A_66] : memref<100000x8xf32, #tpu.memory_space<hbm>> -> memref<100000x8xf32, #tpu.memory_space<hbm>>
      tpu.wait_indirect_dma semaphore(%arg14 : memref<!tpu.dma_semaphore, #tpu.memory_space<semaphore_mem>>) src(%dma_wait3A_67 : memref<100000x8xf32, #tpu.memory_space<hbm>>) dst(%arg11 : memref<4000x8xf32, #tpu.memory_space<vmem>>)
      %dma_start3A_68 = arith.constant 0 : i32
      %dma_start3A_69 = arith.constant 0 : i32
      %dma_start3A_70 = tpu.memref_slice %arg12[%dma_start3A_68, %dma_start3A_69] : memref<100000x8xf32, #tpu.memory_space<vmem_shared>> -> memref<100000x8xf32, #tpu.memory_space<vmem_shared>>
      tpu.enqueue_indirect_dma source(%arg11 : memref<4000x8xf32, #tpu.memory_space<vmem>>) target(%dma_start3A_70 : memref<100000x8xf32, #tpu.memory_space<vmem_shared>>) offsets(%arg9 : memref<4000xi32, #tpu.memory_space<vmem>>) semaphore(%arg16 : memref<!tpu.dma_semaphore, #tpu.memory_space<semaphore_mem>>) {add = true}
    }
    %scan3A_14 = arith.constant 25 : i32
    %dma_wait3A = arith.constant 0 : i32
    %dma_wait3A_15 = arith.constant 0 : i32
    %dma_wait3A_16 = tpu.memref_slice %arg12[%dma_wait3A, %dma_wait3A_15] : memref<100000x8xf32, #tpu.memory_space<vmem_shared>> -> memref<100000x8xf32, #tpu.memory_space<vmem_shared>>
    tpu.wait_indirect_dma semaphore(%arg15 : memref<!tpu.dma_semaphore, #tpu.memory_space<semaphore_mem>>) src(%arg10 : memref<4000x8xf32, #tpu.memory_space<vmem>>) dst(%dma_wait3A_16 : memref<100000x8xf32, #tpu.memory_space<vmem_shared>>)
    %dma_wait3A_17 = arith.constant 0 : i32
    %dma_wait3A_18 = arith.constant 0 : i32
    %dma_wait3A_19 = tpu.memref_slice %arg12[%dma_wait3A_17, %dma_wait3A_18] : memref<100000x8xf32, #tpu.memory_space<vmem_shared>> -> memref<100000x8xf32, #tpu.memory_space<vmem_shared>>
    tpu.wait_indirect_dma semaphore(%arg16 : memref<!tpu.dma_semaphore, #tpu.memory_space<semaphore_mem>>) src(%arg11 : memref<4000x8xf32, #tpu.memory_space<vmem>>) dst(%dma_wait3A_19 : memref<100000x8xf32, #tpu.memory_space<vmem_shared>>)
    %barrier3A_20 = arith.constant 0 : index
    tpu.barrier barrier_id(%barrier3A_20)
    %mul3A_21 = arith.constant 6248 : i32
    %mul3A_22 = arith.muli %arg1, %mul3A_21 : i32
    %mul3A_23 = arith.constant 6248 : i32
    %mul3A_24 = arith.muli %arg1, %mul3A_23 : i32
    "tpu.region"() ({
      %run_scoped3A_30 = tpu.sem_alloc : memref<!tpu.dma_semaphore, #tpu.memory_space<semaphore_mem>>
      %dma_start3A_31 = arith.constant 0 : i32
      %dma_start3A_32 = tpu.memref_slice %arg5[%arg0, %mul3A_24, %dma_start3A_31] : memref<2x100000x8xf32, #tpu.memory_space<hbm>> -> memref<1x6248x8xf32, #tpu.memory_space<hbm>>
      %dma_start3A_33 = tpu.memref_squeeze %dma_start3A_32 : memref<1x6248x8xf32, #tpu.memory_space<hbm>> -> memref<6248x8xf32, #tpu.memory_space<hbm>>
      %dma_start3A_34 = arith.constant 0 : i32
      %dma_start3A_35 = tpu.memref_slice %arg12[%mul3A_22, %dma_start3A_34] : memref<100000x8xf32, #tpu.memory_space<vmem_shared>> -> memref<6248x8xf32, #tpu.memory_space<vmem_shared>>
      tpu.enqueue_dma source(%dma_start3A_35 : memref<6248x8xf32, #tpu.memory_space<vmem_shared>>) target(%dma_start3A_33 : memref<6248x8xf32, #tpu.memory_space<hbm>>) target_semaphore(%run_scoped3A_30 : memref<!tpu.dma_semaphore, #tpu.memory_space<semaphore_mem>>)
      %dma_wait3A_36 = arith.constant 0 : i32
      %dma_wait3A_37 = tpu.memref_slice %arg5[%arg0, %mul3A_24, %dma_wait3A_36] : memref<2x100000x8xf32, #tpu.memory_space<hbm>> -> memref<1x6248x8xf32, #tpu.memory_space<hbm>>
      %dma_wait3A_38 = tpu.memref_squeeze %dma_wait3A_37 : memref<1x6248x8xf32, #tpu.memory_space<hbm>> -> memref<6248x8xf32, #tpu.memory_space<hbm>>
      %dma_wait3A_39 = arith.constant 0 : i32
      %dma_wait3A_40 = tpu.memref_slice %arg12[%mul3A_22, %dma_wait3A_39] : memref<100000x8xf32, #tpu.memory_space<vmem_shared>> -> memref<6248x8xf32, #tpu.memory_space<vmem_shared>>
      tpu.wait_dma2 semaphore(%run_scoped3A_30 : memref<!tpu.dma_semaphore, #tpu.memory_space<semaphore_mem>>) src(%dma_wait3A_40 : memref<6248x8xf32, #tpu.memory_space<vmem_shared>>) dst(%dma_wait3A_38 : memref<6248x8xf32, #tpu.memory_space<hbm>>)
      tpu.yield
    }) : () -> ()
    %eq3A_25 = arith.constant 15 : i32
    %eq3A_26 = arith.cmpi eq, %arg1, %eq3A_25 : i32
    %convert_element_type3A_27 = arith.extui %eq3A_26 : i1 to i32
    %cond3A_28 = arith.constant 0 : i32
    %cond3A_29 = arith.cmpi ne, %convert_element_type3A_27, %cond3A_28 : i32
    scf.if %cond3A_29 {
      "tpu.region"() ({
        %run_scoped3A_30 = tpu.sem_alloc : memref<!tpu.dma_semaphore, #tpu.memory_space<semaphore_mem>>
        %dma_start3A_31 = arith.constant 99968 : i32
        %dma_start3A_32 = arith.constant 0 : i32
        %dma_start3A_33 = tpu.memref_slice %arg5[%arg0, %dma_start3A_31, %dma_start3A_32] : memref<2x100000x8xf32, #tpu.memory_space<hbm>> -> memref<1x32x8xf32, #tpu.memory_space<hbm>>
        %dma_start3A_34 = tpu.memref_squeeze %dma_start3A_33 : memref<1x32x8xf32, #tpu.memory_space<hbm>> -> memref<32x8xf32, #tpu.memory_space<hbm>>
        %dma_start3A_35 = arith.constant 99968 : i32
        %dma_start3A_36 = arith.constant 0 : i32
        %dma_start3A_37 = tpu.memref_slice %arg12[%dma_start3A_35, %dma_start3A_36] : memref<100000x8xf32, #tpu.memory_space<vmem_shared>> -> memref<32x8xf32, #tpu.memory_space<vmem_shared>>
        tpu.enqueue_dma source(%dma_start3A_37 : memref<32x8xf32, #tpu.memory_space<vmem_shared>>) target(%dma_start3A_34 : memref<32x8xf32, #tpu.memory_space<hbm>>) target_semaphore(%run_scoped3A_30 : memref<!tpu.dma_semaphore, #tpu.memory_space<semaphore_mem>>)
        %dma_wait3A_38 = arith.constant 99968 : i32
        %dma_wait3A_39 = arith.constant 0 : i32
        %dma_wait3A_40 = tpu.memref_slice %arg5[%arg0, %dma_wait3A_38, %dma_wait3A_39] : memref<2x100000x8xf32, #tpu.memory_space<hbm>> -> memref<1x32x8xf32, #tpu.memory_space<hbm>>
        %dma_wait3A_41 = tpu.memref_squeeze %dma_wait3A_40 : memref<1x32x8xf32, #tpu.memory_space<hbm>> -> memref<32x8xf32, #tpu.memory_space<hbm>>
        %dma_wait3A_42 = arith.constant 99968 : i32
        %dma_wait3A_43 = arith.constant 0 : i32
        %dma_wait3A_44 = tpu.memref_slice %arg12[%dma_wait3A_42, %dma_wait3A_43] : memref<100000x8xf32, #tpu.memory_space<vmem_shared>> -> memref<32x8xf32, #tpu.memory_space<vmem_shared>>
        tpu.wait_dma2 semaphore(%run_scoped3A_30 : memref<!tpu.dma_semaphore, #tpu.memory_space<semaphore_mem>>) src(%dma_wait3A_44 : memref<32x8xf32, #tpu.memory_space<vmem_shared>>) dst(%dma_wait3A_41 : memref<32x8xf32, #tpu.memory_space<hbm>>)
        tpu.yield
      }) : () -> ()
    } else {
    }
    return
  }
}

module attributes {stable_mosaic.version = 14 : i64} {
  func.func @_tc_norm_body(%arg0: memref<2x6250x128xf32, #tpu.memory_space<vmem>>, %arg1: memref<6250x128xf32, #tpu.memory_space<vmem>>, %arg2: memref<128x128xf32, #tpu.memory_space<vmem>>, %arg3: memref<128x128xf32, #tpu.memory_space<vmem>>, %arg4: memref<6250x128xf32, #tpu.memory_space<vmem>>, %arg5: memref<6250x128xf32, #tpu.memory_space<vmem>>, %arg6: memref<6250x128xf32, #tpu.memory_space<vmem>>) attributes {dimension_semantics = [], scalar_prefetch = 0 : i64, scratch_operands = 0 : i64, tpu.core_type = #tpu.core_type<tc>} {
    %get3A = arith.constant 0 : index
    %get3A_0 = arith.constant 0 : index
    %get3A_1 = arith.constant 0 : index
    %get3A_2 = vector.load %arg0[%get3A, %get3A_0, %get3A_1] : memref<2x6250x128xf32, #tpu.memory_space<vmem>>, vector<1x6250x128xf32>
    %get3A_3 = vector.shape_cast %get3A_2 : vector<1x6250x128xf32> to vector<6250x128xf32>
    %get3A_4 = arith.constant 1 : index
    %get3A_5 = arith.constant 0 : index
    %get3A_6 = arith.constant 0 : index
    %get3A_7 = vector.load %arg0[%get3A_4, %get3A_5, %get3A_6] : memref<2x6250x128xf32, #tpu.memory_space<vmem>>, vector<1x6250x128xf32>
    %get3A_8 = vector.shape_cast %get3A_7 : vector<1x6250x128xf32> to vector<6250x128xf32>
    %add3A = arith.addf %get3A_3, %get3A_8 : vector<6250x128xf32>
    %get3A_9 = arith.constant 0 : index
    %get3A_10 = arith.constant 0 : index
    %get3A_11 = vector.load %arg2[%get3A_9, %get3A_10] : memref<128x128xf32, #tpu.memory_space<vmem>>, vector<128x128xf32>
    %dot_general3A = arith.constant dense<0.000000e+00> : vector<6250x128xf32>
    %dot_general3A_12 = tpu.matmul %add3A, %get3A_11, %dot_general3A {dimension_numbers = #tpu.dot_dimension_numbers<[1], [0], [0], [1], [0, 0, 1, 1], [], []>, transpose_lhs_hint = false} : vector<6250x128xf32>, vector<128x128xf32>, vector<6250x128xf32> -> vector<6250x128xf32>
    %get3A_13 = arith.constant 0 : index
    %get3A_14 = arith.constant 0 : index
    %get3A_15 = vector.load %arg3[%get3A_13, %get3A_14] : memref<128x128xf32, #tpu.memory_space<vmem>>, vector<128x128xf32>
    %dot_general3A_16 = arith.constant dense<0.000000e+00> : vector<6250x128xf32>
    %dot_general3A_17 = tpu.matmul %add3A, %get3A_15, %dot_general3A_16 {dimension_numbers = #tpu.dot_dimension_numbers<[1], [0], [0], [1], [0, 0, 1, 1], [], []>, transpose_lhs_hint = false} : vector<6250x128xf32>, vector<128x128xf32>, vector<6250x128xf32> -> vector<6250x128xf32>
    %gt3A = arith.constant 0.000000e+00 : f32
    %gt3A_18 = vector.broadcast %gt3A : f32 to vector<6250x128xf32>
    %gt3A_19 = arith.cmpf ogt, %dot_general3A_12, %gt3A_18 : vector<6250x128xf32>
    %rsqrt3A = math.rsqrt %dot_general3A_12 : vector<6250x128xf32>
    %jit3A = arith.constant 0.000000e+00 : f32
    %broadcast_in_dim3A = vector.broadcast %jit3A : f32 to vector<6250x128xf32>
    %select_n3A = arith.select %gt3A_19, %rsqrt3A, %broadcast_in_dim3A : vector<6250x128xi1>, vector<6250x128xf32>
    %gt3A_20 = arith.constant 0.000000e+00 : f32
    %gt3A_21 = vector.broadcast %gt3A_20 : f32 to vector<6250x128xf32>
    %gt3A_22 = arith.cmpf ogt, %dot_general3A_17, %gt3A_21 : vector<6250x128xf32>
    %rsqrt3A_23 = math.rsqrt %dot_general3A_17 : vector<6250x128xf32>
    %jit3A_24 = arith.constant 0.000000e+00 : f32
    %broadcast_in_dim3A_25 = vector.broadcast %jit3A_24 : f32 to vector<6250x128xf32>
    %select_n3A_26 = arith.select %gt3A_22, %rsqrt3A_23, %broadcast_in_dim3A_25 : vector<6250x128xi1>, vector<6250x128xf32>
    %get3A_27 = arith.constant 0 : index
    %get3A_28 = arith.constant 0 : index
    %get3A_29 = vector.load %arg1[%get3A_27, %get3A_28] : memref<6250x128xf32, #tpu.memory_space<vmem>>, vector<6250x128xf32>
    %mul3A = arith.mulf %get3A_29, %select_n3A : vector<6250x128xf32>
    %swap3A = arith.constant 0 : index
    %swap3A_30 = arith.constant 0 : index
    %swap3A_31 = vector.load %arg4[%swap3A, %swap3A_30] : memref<6250x128xf32, #tpu.memory_space<vmem>>, vector<6250x128xf32>
    tpu.vector_store %arg4[%swap3A, %swap3A_30], %mul3A {strides = array<i32>} : memref<6250x128xf32, #tpu.memory_space<vmem>>, vector<6250x128xf32>,
    %swap3A_32 = arith.constant 0 : index
    %swap3A_33 = arith.constant 0 : index
    %swap3A_34 = vector.load %arg5[%swap3A_32, %swap3A_33] : memref<6250x128xf32, #tpu.memory_space<vmem>>, vector<6250x128xf32>
    tpu.vector_store %arg5[%swap3A_32, %swap3A_33], %select_n3A {strides = array<i32>} : memref<6250x128xf32, #tpu.memory_space<vmem>>, vector<6250x128xf32>,
    %swap3A_35 = arith.constant 0 : index
    %swap3A_36 = arith.constant 0 : index
    %swap3A_37 = vector.load %arg6[%swap3A_35, %swap3A_36] : memref<6250x128xf32, #tpu.memory_space<vmem>>, vector<6250x128xf32>
    tpu.vector_store %arg6[%swap3A_35, %swap3A_36], %select_n3A_26 {strides = array<i32>} : memref<6250x128xf32, #tpu.memory_space<vmem>>, vector<6250x128xf32>,
    return
  }
}

module attributes {stable_mosaic.version = 14 : i64} {
  func.func @_tc_layer1_body(%arg0: memref<2x6250x128xf32, #tpu.memory_space<vmem>>, %arg1: memref<6250x128xf32, #tpu.memory_space<vmem>>, %arg2: memref<6250x128xf32, #tpu.memory_space<vmem>>, %arg3: memref<128x128xf32, #tpu.memory_space<vmem>>, %arg4: memref<128x128xf32, #tpu.memory_space<vmem>>, %arg5: memref<1x128xf32, #tpu.memory_space<vmem>>, %arg6: memref<1x128xf32, #tpu.memory_space<vmem>>, %arg7: memref<128x128xf32, #tpu.memory_space<vmem>>, %arg8: memref<128x128xf32, #tpu.memory_space<vmem>>, %arg9: memref<6250x128xf32, #tpu.memory_space<vmem>>) attributes {dimension_semantics = [], scalar_prefetch = 0 : i64, scratch_operands = 0 : i64, tpu.core_type = #tpu.core_type<tc>} {
    %get3A = arith.constant 0 : index
    %get3A_0 = arith.constant 0 : index
    %get3A_1 = arith.constant 0 : index
    %get3A_2 = vector.load %arg0[%get3A, %get3A_0, %get3A_1] : memref<2x6250x128xf32, #tpu.memory_space<vmem>>, vector<1x6250x128xf32>
    %get3A_3 = vector.shape_cast %get3A_2 : vector<1x6250x128xf32> to vector<6250x128xf32>
    %get3A_4 = arith.constant 1 : index
    %get3A_5 = arith.constant 0 : index
    %get3A_6 = arith.constant 0 : index
    %get3A_7 = vector.load %arg0[%get3A_4, %get3A_5, %get3A_6] : memref<2x6250x128xf32, #tpu.memory_space<vmem>>, vector<1x6250x128xf32>
    %get3A_8 = vector.shape_cast %get3A_7 : vector<1x6250x128xf32> to vector<6250x128xf32>
    %add3A = arith.addf %get3A_3, %get3A_8 : vector<6250x128xf32>
    %get3A_9 = arith.constant 0 : index
    %get3A_10 = arith.constant 0 : index
    %get3A_11 = vector.load %arg1[%get3A_9, %get3A_10] : memref<6250x128xf32, #tpu.memory_space<vmem>>, vector<6250x128xf32>
    %get3A_12 = arith.constant 0 : index
    %get3A_13 = arith.constant 0 : index
    %get3A_14 = vector.load %arg2[%get3A_12, %get3A_13] : memref<6250x128xf32, #tpu.memory_space<vmem>>, vector<6250x128xf32>
    %get3A_15 = arith.constant 0 : index
    %get3A_16 = arith.constant 0 : index
    %get3A_17 = vector.load %arg3[%get3A_15, %get3A_16] : memref<128x128xf32, #tpu.memory_space<vmem>>, vector<128x128xf32>
    %dot_general3A = arith.constant dense<0.000000e+00> : vector<6250x128xf32>
    %dot_general3A_18 = tpu.matmul %add3A, %get3A_17, %dot_general3A {dimension_numbers = #tpu.dot_dimension_numbers<[1], [0], [0], [1], [0, 0, 1, 1], [], []>, transpose_lhs_hint = false} : vector<6250x128xf32>, vector<128x128xf32>, vector<6250x128xf32> -> vector<6250x128xf32>
    %get3A_19 = arith.constant 0 : index
    %get3A_20 = arith.constant 0 : index
    %get3A_21 = vector.load %arg4[%get3A_19, %get3A_20] : memref<128x128xf32, #tpu.memory_space<vmem>>, vector<128x128xf32>
    %dot_general3A_22 = arith.constant dense<0.000000e+00> : vector<6250x128xf32>
    %dot_general3A_23 = tpu.matmul %add3A, %get3A_21, %dot_general3A_22 {dimension_numbers = #tpu.dot_dimension_numbers<[1], [0], [0], [1], [0, 0, 1, 1], [], []>, transpose_lhs_hint = false} : vector<6250x128xf32>, vector<128x128xf32>, vector<6250x128xf32> -> vector<6250x128xf32>
    %mul3A = arith.mulf %dot_general3A_18, %get3A_14 : vector<6250x128xf32>
    %get3A_24 = arith.constant 0 : index
    %get3A_25 = arith.constant 0 : index
    %get3A_26 = vector.load %arg5[%get3A_24, %get3A_25] : memref<1x128xf32, #tpu.memory_space<vmem>>, vector<1x128xf32>
    %add3A_27 = vector.broadcast %get3A_26 : vector<1x128xf32> to vector<6250x128xf32>
    %add3A_28 = arith.addf %mul3A, %add3A_27 : vector<6250x128xf32>
    %max3A = arith.constant 0.000000e+00 : f32
    %max3A_29 = vector.broadcast %max3A : f32 to vector<6250x128xf32>
    %max3A_30 = arith.maximumf %add3A_28, %max3A_29 : vector<6250x128xf32>
    %mul3A_31 = arith.mulf %max3A_30, %get3A_11 : vector<6250x128xf32>
    %mul3A_32 = arith.mulf %dot_general3A_23, %get3A_14 : vector<6250x128xf32>
    %get3A_33 = arith.constant 0 : index
    %get3A_34 = arith.constant 0 : index
    %get3A_35 = vector.load %arg6[%get3A_33, %get3A_34] : memref<1x128xf32, #tpu.memory_space<vmem>>, vector<1x128xf32>
    %add3A_36 = vector.broadcast %get3A_35 : vector<1x128xf32> to vector<6250x128xf32>
    %add3A_37 = arith.addf %mul3A_32, %add3A_36 : vector<6250x128xf32>
    %max3A_38 = arith.constant 0.000000e+00 : f32
    %max3A_39 = vector.broadcast %max3A_38 : f32 to vector<6250x128xf32>
    %max3A_40 = arith.maximumf %add3A_37, %max3A_39 : vector<6250x128xf32>
    %mul3A_41 = arith.mulf %max3A_40, %get3A_11 : vector<6250x128xf32>
    %get3A_42 = arith.constant 0 : index
    %get3A_43 = arith.constant 0 : index
    %get3A_44 = vector.load %arg7[%get3A_42, %get3A_43] : memref<128x128xf32, #tpu.memory_space<vmem>>, vector<128x128xf32>
    %dot_general3A_45 = arith.constant dense<0.000000e+00> : vector<6250x128xf32>
    %dot_general3A_46 = tpu.matmul %mul3A_31, %get3A_44, %dot_general3A_45 {dimension_numbers = #tpu.dot_dimension_numbers<[1], [0], [0], [1], [0, 0, 1, 1], [], []>, transpose_lhs_hint = false} : vector<6250x128xf32>, vector<128x128xf32>, vector<6250x128xf32> -> vector<6250x128xf32>
    %get3A_47 = arith.constant 0 : index
    %get3A_48 = arith.constant 0 : index
    %get3A_49 = vector.load %arg8[%get3A_47, %get3A_48] : memref<128x128xf32, #tpu.memory_space<vmem>>, vector<128x128xf32>
    %dot_general3A_50 = arith.constant dense<0.000000e+00> : vector<6250x128xf32>
    %dot_general3A_51 = tpu.matmul %mul3A_41, %get3A_49, %dot_general3A_50 {dimension_numbers = #tpu.dot_dimension_numbers<[1], [0], [0], [1], [0, 0, 1, 1], [], []>, transpose_lhs_hint = false} : vector<6250x128xf32>, vector<128x128xf32>, vector<6250x128xf32> -> vector<6250x128xf32>
    %add3A_52 = arith.addf %dot_general3A_46, %dot_general3A_51 : vector<6250x128xf32>
    %swap3A = arith.constant 0 : index
    %swap3A_53 = arith.constant 0 : index
    %swap3A_54 = vector.load %arg9[%swap3A, %swap3A_53] : memref<6250x128xf32, #tpu.memory_space<vmem>>, vector<6250x128xf32>
    tpu.vector_store %arg9[%swap3A, %swap3A_53], %add3A_52 {strides = array<i32>} : memref<6250x128xf32, #tpu.memory_space<vmem>>, vector<6250x128xf32>,
    return
  }
}

module attributes {stable_mosaic.version = 14 : i64} {
  func.func @_tc_layer2_body(%arg0: memref<2x6250x128xf32, #tpu.memory_space<vmem>>, %arg1: memref<6250x128xf32, #tpu.memory_space<vmem>>, %arg2: memref<1x128xf32, #tpu.memory_space<vmem>>, %arg3: memref<6250x128xf32, #tpu.memory_space<vmem>>) attributes {dimension_semantics = [], scalar_prefetch = 0 : i64, scratch_operands = 0 : i64, tpu.core_type = #tpu.core_type<tc>} {
    %get3A = arith.constant 0 : index
    %get3A_0 = arith.constant 0 : index
    %get3A_1 = arith.constant 0 : index
    %get3A_2 = vector.load %arg0[%get3A, %get3A_0, %get3A_1] : memref<2x6250x128xf32, #tpu.memory_space<vmem>>, vector<1x6250x128xf32>
    %get3A_3 = vector.shape_cast %get3A_2 : vector<1x6250x128xf32> to vector<6250x128xf32>
    %get3A_4 = arith.constant 1 : index
    %get3A_5 = arith.constant 0 : index
    %get3A_6 = arith.constant 0 : index
    %get3A_7 = vector.load %arg0[%get3A_4, %get3A_5, %get3A_6] : memref<2x6250x128xf32, #tpu.memory_space<vmem>>, vector<1x6250x128xf32>
    %get3A_8 = vector.shape_cast %get3A_7 : vector<1x6250x128xf32> to vector<6250x128xf32>
    %add3A = arith.addf %get3A_3, %get3A_8 : vector<6250x128xf32>
    %get3A_9 = arith.constant 0 : index
    %get3A_10 = arith.constant 0 : index
    %get3A_11 = vector.load %arg1[%get3A_9, %get3A_10] : memref<6250x128xf32, #tpu.memory_space<vmem>>, vector<6250x128xf32>
    %mul3A = arith.mulf %add3A, %get3A_11 : vector<6250x128xf32>
    %get3A_12 = arith.constant 0 : index
    %get3A_13 = arith.constant 0 : index
    %get3A_14 = vector.load %arg2[%get3A_12, %get3A_13] : memref<1x128xf32, #tpu.memory_space<vmem>>, vector<1x128xf32>
    %add3A_15 = vector.broadcast %get3A_14 : vector<1x128xf32> to vector<6250x128xf32>
    %add3A_16 = arith.addf %mul3A, %add3A_15 : vector<6250x128xf32>
    %swap3A = arith.constant 0 : index
    %swap3A_17 = arith.constant 0 : index
    %swap3A_18 = vector.load %arg3[%swap3A, %swap3A_17] : memref<6250x128xf32, #tpu.memory_space<vmem>>, vector<6250x128xf32>
    tpu.vector_store %arg3[%swap3A, %swap3A_17], %add3A_16 {strides = array<i32>} : memref<6250x128xf32, #tpu.memory_space<vmem>>, vector<6250x128xf32>,
    return
  }
}

</mosaic_0001>

<sc_bundles>
// kernel: kernel.11.cloned.1.call-start
scs
__scs_entry_jumppad:
0x0: {  	(pc) =	sbr.rel $0x88, $3  }
0x1: {  	(tag) =	ssettag $0x0;
	lr =	simm.s32 $0x1  }
0x2: {  	[smem:$0x3F9B] =	sst lr;
	_ =	strace $0xD0000000  }
0x3: {  	_ = 	snop  }
0x4: {  	_ = 	snop  }
0x5: {  	_ = 	snop  }
0x6: {  	_ = 	snop  }
0x7: {  	_ = 	snop  }
__scs_overlays_trampoline_lowered:
0x8: {  	[smem:$0x3FAA] =	sst s0  }
0x9: {  	[smem:$0x3FAB] =	sst s1  }
0xa: {  	[smem:$0x3FAC] =	sst s2  }
0xb: {  	[smem:$0x3FAD] =	sst s3  }
0xc: {  	[smem:$0x3FAE] =	sst s4  }
0xd: {  	[smem:$0x3FAF] =	sst s5  }
0xe: {  	[smem:$0x3FB0] =	sst s6  }
0xf: {  	[smem:$0x3FB1] =	sst s7  }
0x10: {  	[smem:$0x3FB2] =	sst s8  }
0x11: {  	[smem:$0x3FB3] =	sst s9;
	s0 =	simm.s32 @!p0 $0x0  }
0x12: {  	s1 =	sld [smem:$0x3F99];
	s0 =	simm.s32 @p0 $0x1  }
0x13: {  	[smem:$0x3FB4] =	sst s0;
	s0 =	simm.s32 @!p1 $0x0  }
0x14: {  	s2 =	sld [smem:$0x3F98];
	s0 =	simm.s32 @p1 $0x1  }
0x15: {  	[smem:$0x3FB5] =	sst s0;
	s0 =	simm.s32 @!p2 $0x0  }
0x16: {  	s3 =	sld [smem:$0x3FDB];
	s0 =	simm.s32 @p2 $0x1  }
0x17: {  	s4 =	simm.s32 $0x1BF5;
	[smem:$0x3FB7] =	sst s0  }
0x18: {  	s0 =	sld [smem:$0x3F9A];
	_ =	swait.ge [sflag:s4], $0x0  }
0x19: {  	s7 =	sld [smem:$0x3F9B]  }
0x1a: {  	s8 =	sadd.s32 $0xFFFFE003, lr  }
0x1b: {  	s9 =	sadd.s32 $0xFFFFFEF7, lr;
	s5 =	simm.s32 $0xFFFFFFFF;
	p2 =	slt.u32 s8, $0xFFFFF086  }
0x1c: {  	p1 =	slt.u32 s9, $0xF7A;
	s5 =	simm.s32 @!p2 $0x0  }
0x1d: {  	s5 =	simm.s32 @p1 $0x1;
	p0 =	seq.s32 s7, s2  }
0x1e: {  	s7 =	smul.u32 @!p0 $0xF7A, s2;
	p2 =	seq.s32 @!p0 s5, $0x0  }
0x1f: {  	s9 =	smul.u32 $0xF7A, s1;
	s8 =	simm.s32 @!p0 $0x1BF5;
	p2 =	por !p2, p0  }
0x20: {  	[sflag:s8] =	ssyncset.s32 @!p0 $0xFFFFF086;
	s6 =	sadd.s32 @!p0 s3, s7;
	s7 =	simm.s32 @!p0 $0x108  }
0x21: {  	s3 =	sadd.s32 s3, s9;
	s6 =	sadd.s32 @!p0 $0x88, s6;
	s7 =	simm.s32 @p2 $0x1082  }
0x22: {  	[simem:s7], [sflag:s8] =	dma.local @!p0 [hbm:s6], $0xF7A  }
0x23: {  	s9 =	sor.u32 $0xD0000000, s2;
	s6 =	simm.s32 $0x108;
	_ =	swait.ge @!p0 [sflag:s8], $0x0  }
0x24: {  	s3 =	sadd.s32 $0x88, s3;
	s6 =	simm.s32 @!p1 $0x1082;
	[sflag:s4] =	ssyncset.s32 $0xFFFFF086  }
0x25: {  	[simem:s6], [sflag:s4] =	dma.local [hbm:s3], $0xF7A  }
0x26: {  	[smem:$0x3F9B] =	sst s1;
	(tag) =	ssettag s2;
	_ =	strace s9  }
0x27: {  	s1 =	sld [smem:$0x3FAB]  }
0x28: {  	s2 =	sld [smem:$0x3FAC]  }
0x29: {  	s4 =	sld [smem:$0x3FAE]  }
0x2a: {  	p0 =	seq.s32 s5, $0x0;
	s5 =	sld [smem:$0x3FAF]  }
0x2b: {  	s6 =	sld [smem:$0x3FB0]  }
0x2c: {  	s7 =	sld [smem:$0x3FB1]  }
0x2d: {  	s3 =	simm.s32 $0x108;
	s8 =	sld [smem:$0x3FB2]  }
0x2e: {  	s3 =	simm.s32 @!p0 $0x1082;
	s9 =	sld [smem:$0x3FB3]  }
0x2f: {  	lr =	sadd.s32 s0, s3;
	s0 =	sld [smem:$0x3FAA]  }
0x30: {  	s3 =	sld [smem:$0x3FAD]  }
0x31: {  	[smem:$0x3FB6] =	sst s10  }
0x32: {  	s10 =	sld [smem:$0x3FB4];
	_ =	sdelay $0x3  }
0x33: {  	p0 =	seq.s32 s10, $0x1;
	s10 =	sld [smem:$0x3FB6];
	_ =	sdelay $0x3  }
0x34: {  	[smem:$0x3FB6] =	sst s10  }
0x35: {  	s10 =	sld [smem:$0x3FB5];
	_ =	sdelay $0x3  }
0x36: {  	p1 =	seq.s32 s10, $0x1;
	s10 =	sld [smem:$0x3FB6];
	_ =	sdelay $0x3  }
0x37: {  	[smem:$0x3FB6] =	sst s10  }
0x38: {  	s10 =	sld [smem:$0x3FB7]  }
0x39: {  	_ = 	snop;
	(pc) =	sbr.ind lr, $3  }
0x3a: {  	_ = 	snop  }
0x3b: {  	_ = 	snop  }
0x3c: {  	p2 =	seq.s32 s10, $0x1;
	s10 =	sld [smem:$0x3FB6]  }
0x3d: {  	_ =	shalt  }
0x3e: {  	_ =	shalt  }
0x3f: {  	_ =	shalt  }
0x40: {  	_ =	shalt  }
0x41: {  	_ =	shalt  }
0x42: {  	_ =	shalt  }
0x43: {  	_ =	shalt  }
0x44: {  	_ =	shalt  }
0x45: {  	_ =	shalt  }
0x46: {  	_ =	shalt  }
0x47: {  	_ =	shalt  }
0x48: {  	_ =	shalt  }
0x49: {  	_ =	shalt  }
0x4a: {  	_ =	shalt  }
0x4b: {  	_ =	shalt  }
0x4c: {  	_ =	shalt  }
0x4d: {  	_ =	shalt  }
0x4e: {  	_ =	shalt  }
0x4f: {  	_ =	shalt  }
0x50: {  	_ =	shalt  }
0x51: {  	_ =	shalt  }
0x52: {  	_ =	shalt  }
0x53: {  	_ =	shalt  }
0x54: {  	_ =	shalt  }
0x55: {  	_ =	shalt  }
0x56: {  	_ =	shalt  }
0x57: {  	_ =	shalt  }
0x58: {  	_ =	shalt  }
0x59: {  	_ =	shalt  }
0x5a: {  	_ =	shalt  }
0x5b: {  	_ =	shalt  }
0x5c: {  	_ =	shalt  }
0x5d: {  	_ =	shalt  }
0x5e: {  	_ =	shalt  }
0x5f: {  	_ =	shalt  }
0x60: {  	_ =	shalt  }
0x61: {  	_ =	shalt  }
0x62: {  	_ =	shalt  }
0x63: {  	_ =	shalt  }
0x64: {  	_ =	shalt  }
0x65: {  	_ =	shalt  }
0x66: {  	_ =	shalt  }
0x67: {  	_ =	shalt  }
0x68: {  	_ =	shalt  }
0x69: {  	_ =	shalt  }
0x6a: {  	_ =	shalt  }
0x6b: {  	_ =	shalt  }
0x6c: {  	_ =	shalt  }
0x6d: {  	_ =	shalt  }
0x6e: {  	_ =	shalt  }
0x6f: {  	_ =	shalt  }
0x70: {  	_ =	shalt  }
0x71: {  	_ =	shalt  }
0x72: {  	_ =	shalt  }
0x73: {  	_ =	shalt  }
0x74: {  	_ =	shalt  }
0x75: {  	_ =	shalt  }
0x76: {  	_ =	shalt  }
0x77: {  	_ =	shalt  }
0x78: {  	_ =	shalt  }
0x79: {  	_ =	shalt  }
0x7a: {  	_ =	shalt  }
0x7b: {  	_ =	shalt  }
0x7c: {  	_ =	shalt  }
0x7d: {  	_ =	shalt  }
0x7e: {  	_ =	shalt  }
0x7f: {  	_ =	shalt  }
0x80: {  	_ =	shalt  }
0x81: {  	_ =	shalt  }
0x82: {  	_ =	shalt  }
0x83: {  	_ =	shalt  }
0x84: {  	_ =	shalt  }
0x85: {  	_ =	shalt  }
0x86: {  	_ =	shalt  }
0x87: {  	_ =	shalt  }
.Lfunc_end0:
.L_simem_size_0:
called_computation.2_lowered:
.L_overlay_start_0:
0x88: {  	s2 =	sld [smem:$0x3FD9]  }
0x89: {  	s3 =	sld [smem:$0x3FFE];
	_ =	sdelay $0x1  }
0x8a: {  	s1 =	srdreg.scid  }
0x8b: {  	s0 =	sand.u32 $0x1, s1  }
0x8c: {  	s17 =	sshll.u32 s0, $0xA;
	s2 =	sadd.s32 s3, s2  }
0x8d: {  	s2 =	sadd.s32 s2, s17  }
0x8e: {  	[smem:$0x3FC2] =	sst s2  }
0x8f: {  	_ = 	snop  }
0x90: {  	s2 =	sld [smem:$0x3FD0];
	(tm) =	ssettm $0x1  }
0x91: {  	s18 =	sld [smem:$0x3FFB];
	_ =	sdelay $0x3  }
0x92: {  	_ =	strace s18  }
0x93: {  	s3 =	sld [smem:$0x3FFC];
	_ =	sdelay $0x3  }
0x94: {  	_ =	strace s3  }
0x95: {  	s3 =	sld [smem:$0x3FFD];
	_ =	sdelay $0x3  }
0x96: {  	_ =	strace s3  }
0x97: {  	_ =	strace $0x8FFFFFFF  }
0x98: {  	s19 =	sld [smem:$0x3FDB];
	_ =	sdelay $0x1  }
0x99: {  	s4 =	simm.s32 $_scs_section_size  }
0x9a: {  	s5 =	simm.s32 $_size__tile_overlayer_lowered;
	s6 =	simm.s32 $_tile_overlayer_lowered  }
0x9b: {  	s22 =	simm.s32 $0x1BFF;
	s21 =	sshll.u32 s6, $0x1;
	s3 =	sadd.s32 s4, s19  }
0x9c: {  	s7 =	simm.s32 $0x0;
	s20 =	sshll.u32 s5, $0x1;
	s5 =	sadd.s32 s21, s3  }
0x9d: {  	[timem:s7], [sflag:s22] =	dma.local [hbm:s5], s20  }
0x9e: {  	_ =	swait.ge [sflag:s22], s20  }
0x9f: {  	s4 =	ssub.s32 $0x0, s20;
	[sflag:s22] =	ssyncset.done $0x0  }
0xa0: {  	[sflag:s22] =	ssyncadd.s32 s4;
	_ =	sdelay $0x1  }
0xa1: {  	s23 =	simm.s32 $0x1B8B  }
0xa2: {  	_ =	swait.ge [sflag:s23], $0x1  }
0xa3: {  	[sflag:s23] =	ssyncset.done $0x0  }
0xa4: {  	s25 =	simm.s32 $0x1B8E;
	s24 =	sld [smem:$0x3FFE];
	[sflag:s23] =	ssyncadd.s32 $0xFFFFFFFF  }
0xa5: {  	s26 =	simm.s32 $execute0_lowered;
	[smem:$0x3FD2] =	sst s25  }
0xa6: {  	s5 =	sshll.u32 s26, $0x1;
	_ =	strace $0x8000004C;
	[dreg:$0x1] =	wrdreg $0xFFFFFFFF  }
0xa7: {  	s28 =	simm.s32 $_size_execute0_lowered;
	s3 =	sadd.s32 s3, s5;
	[dreg:$0x0] =	wrdreg $0x0  }
0xa8: {  	s5 =	sshll.u32 s28, $0x1;
	[dreg:$0x2] =	wrdreg s3  }
0xa9: {  	[dreg:$0x3] =	wrdreg s5  }
0xaa: {  	[dreg:$0x4] =	wrdreg $0xC0  }
0xab: {  	_ =	task [dreg:s7], $0x5FFFF  }
0xac: {  	[dreg:$0x1] =	wrdreg $0xFFFFFFFF  }
0xad: {  	[dreg:$0x0] =	wrdreg $0x60  }
0xae: {  	[dreg:$0x2] =	wrdreg s24  }
0xaf: {  	[dreg:$0x3] =	wrdreg s2  }
0xb0: {  	[dreg:$0x4] =	wrdreg $0x138800  }
0xb1: {  	[dreg:$0x5] =	wrdreg $0x9  }
0xb2: {  	_ =	task.clear_ibuf [dreg:s7], $0x6FFFF;
	_ =	strace $0x9000004C  }
0xb3: {  	s29 =	simm.s32 $0x9;
	_ =	strace $0x8000004E  }
0xb4: {  	_ =	swait.ge [sflag:s29], $0x1  }
0xb5: {  	[sflag:s29] =	ssyncadd.s32 $0xFFFFFFFF  }
0xb6: {  	_ =	strace $0x9000004E  }
0xb7: {  	_ =	sfence  }
0xb8: {  	s30 =	sld [smem:$0x0];
	_ =	sdelay $0x2  }
0xb9: {  	s31 =	sshll.u32 s1, $0xD;
	s1 =	sshrl.u32 s1, $0x2  }
0xba: {  	s3 =	sand.u32 $0x4000, s31;
	s1 =	sadd.s32 s1, s30  }
0xbb: {  	s0 =	sor.u32 s3, s0;
	s1 =	sshll.u32 s1, $0x11  }
0xbc: {  	s0 =	sor.u32 s1, s0  }
0xbd: {  	s0 =	sadd.s32 $0x8F2B, s0  }
0xbe: {  	[sflag:s0] =	ssyncadd.remote.s32 $0x1  }
0xbf: {  	_ =	sfence.sel $0xFFFF  }
0xc0: {  	[dreg:$0x0] =	wrdreg $0xFFFFFFFF;
	(pc) =	sbr.abs _section_cstart, $3  }
0xc1: {  	[dreg:$0x1] =	wrdreg $0xFFFFFFFF  }
0xc2: {  	_ =	task.clear_ibuf [dreg:s7], $0x2FFFF;
	_ =	strace $0x9FFFFFFF  }
0xc3: {  	(tm) =	ssettm $0x7FFFFFFF  }
tec
execute0_lowered:
.L_overlay_start_1:
0x0: {  	(tag) =	ssettag $0x1  }
0x1: {  	s0 =	rddreg [dreg:$0x0]  }
0x2: {  	s2 =	rddreg [dreg:$0x2];
	s3 =	simm.s32 $0x0  }
0x3: {  	s1 =	srdreg.scid;
	s12 =	stileid.u32;
	s28 =	simm.s32 $0x3E80  }
0x4: {  	s29 =	simm.s32 $0x2EE0;
	s30 =	simm.s32 $0xBB80;
	s31 =	simm.s32 $0x1  }
0x5: {  	[smem:$0x7FF] =	sst s3;
	s5 =	sadd.s32 $0x188C00, s0;
	s4 =	sadd.s32 $0x2200, s0  }
0x6: {  	s1 =	sand.u32 $0x1, s1;
	s10 =	smul.u32 $0xC340, s12;
	s0 =	sadd.s32 $0x1A1400, s0  }
0x7: {  	s23 =	sshll.u32 s12, $0x6;
	s9 =	sadd.s32 $0xC3400, s2;
	s26 =	smul.u32 $0x30D40, s12  }
0x8: {  	p0 =	sne.s32 s12, $0xF;
	_ =	strace $0x8000004D;
	s6 =	ssub.s32 $0x2, s1  }
0x9: {  	s7 =	sshll.u32 s1, $0x4;
	s11 =	smul.u32 $0xC3500, s1;
	[dreg:$0x5] =	wrdreg s9  }
0xa: {  	s1 =	smul.u32 $0x30D400, s1;
	s8 =	sshrl.u32 s6, $0x1;
	s7 =	sor.u32 s12, s7  }
0xb: {  	s22 =	sadd.s32 s10, s2;
	s6 =	ssub.s32 s6, s8;
	s21 =	smul.u32 $0x30D40, s7  }
0xc: {  	[dreg:$0x4] =	wrdreg s22;
	s7 =	sor.u32 $0x1C05, s23;
	s24 =	sadd.s32 s10, s11  }
0xd: {  	s25 =	sshrl.u32 s11, $0x3;
	s10 =	smax.u32 s6, $0x1;
	s8 =	sshrl.u32 s21, $0x3  }
0xe: {  	[dreg:$0x9] =	wrdreg s10;
	s9 =	sadd.s32 s4, s8;
	s8 =	sshrl.u32 s24, $0x3  }
0xf: {  	s13 =	sadd.s32 $0xC3500, s9;
	s8 =	sadd.s32 s0, s8;
	s0 =	sadd.s32 s0, s25  }
0x10: {  	s14 =	sadd.s32 $0x1F4, s9;
	s15 =	sadd.s32 $0xC36F4, s9;
	s16 =	sadd.s32 $0x3E8, s9  }
0x11: {  	s17 =	sadd.s32 $0xC38E8, s9;
	[dreg:$0x6] =	wrdreg s13;
	s13 =	sadd.s32 s26, s1  }
0x12: {  	[dreg:$0x7] =	wrdreg s8;
	s0 =	sadd.s32 $0x18680, s0;
	s1 =	sadd.s32 $0x61F620, s13  }
0x13: {  	[dreg:$0x8] =	wrdreg s0;
	s21 =	sadd.s32 $0x4E20, s13;
	s25 =	sadd.s32 $0x61E680, s13  }
0x14: {  	s23 =	sadd.s32 $0x3E80, s13;
	s26 =	sadd.s32 $0x2EE0, s13;
	s0 =	sadd.s32 $0x61D6E0, s13  }
0x15: {  	s1 =	sshrl.u32 s1, $0x3;
	s6 =	sshrl.u32 s21, $0x3;
	s24 =	sshrl.u32 s23, $0x3  }
0x16: {  	s0 =	sshrl.u32 s0, $0x3;
	s1 =	sadd.s32 s1, s4;
	s22 =	sadd.s32 s6, s4  }
0x17: {  	s20 =	sadd.s32 s24, s4;
	s6 =	sshrl.u32 s25, $0x3;
	s23 =	sadd.s32 s0, s4  }
0x18: {  	s24 =	simm.s32 $0x5;
	s25 =	simm.s32 $0x1F40;
	s0 =	simm.s32 $0x3  }
0x19: {  	s18 =	sadd.s32 $0xFFFFFC18, s1;
	s19 =	sadd.s32 $0xFFFFFC18, s22;
	s1 =	sshrl.u32 s26, $0x3  }
0x1a: {  	s21 =	sadd.s32 s6, s4;
	s26 =	simm.s32 $0xFA0;
	s6 =	simm.s32 $0x0  }
0x1b: {  	s22 =	sadd.s32 s1, s4;
	s4 =	simm.s32 $0x2;
	s1 =	simm.s32 $0x4  }
.LBB2_1:
0x1c: {  	s8 =	rddreg [dreg:$0x4]  }
0x1d: {  	s11 =	rddreg [dreg:$0x1];
	s8 =	sshrl.u32 s8, $0x3  }
0x1e: {  	[spmem:s8], [sflag:s7] =	dma.local [hbm:s11], $0x1868  }
0x1f: {  	_ =	swait.ge [sflag:s24], $0x1868  }
0x20: {  	[sflag:s24] =	ssyncset.done $0x0;
	s10 =	rddreg [dreg:$0x5]  }
0x21: {  	[sflag:s24] =	ssyncadd.s32 $0xFFFFE798;
	s10 =	sshrl.u32 @!p0 s10, $0x3  }
0x22: {  	[spmem:s10], [sflag:s7] =	dma.local @!p0 [hbm:s11], $0x20  }
0x23: {  	s11 =	simm.s32 @!p0 $0x5  }
0x24: {  	_ =	swait.ge @!p0 [sflag:s11], $0x20  }
0x25: {  	[sflag:s11] =	ssyncset.done @!p0 $0x0  }
0x26: {  	[sflag:s11] =	ssyncadd.s32 @!p0 $0xFFFFFFE0  }
0x27: {  	[bflag:$0x0] =	sbarrier.arrive $0xFFFF  }
0x28: {  	[tilespmem:s3], [sflag:$0x5] =	stream.linear.gather [hbm4b:s9+s3], $0xFA0, $0x38;
	[tilespmem:$0x1FBD0] =	vst v63  }
0x29: {  	_ =	swait.ge [sflag:s24], $0xFA0  }
0x2a: {  	[sflag:s24] =	ssyncset.done $0x0  }
0x2b: {  	s13 =	rddreg [dreg:$0x6];
	[sflag:s24] =	ssyncadd.s32 $0xFFFFF060  }
0x2c: {  	[tilespmem:s25], [sflag:$0x5] =	stream.linear.gather [hbm4b:s13+s3], $0xFA0, $0x38;
	[tilespmem:$0x1FBD0] =	vst v63  }
0x2d: {  	_ =	swait.ge [sflag:s24], $0xFA0  }
0x2e: {  	[sflag:s24] =	ssyncset.done $0x0  }
0x2f: {  	[sflag:s24] =	ssyncadd.s32 $0xFFFFF060  }
0x30: {  	[tilespmem:s28], [sflag:$0x1] =	stream.indirect.gather [hbm4b:s5+s26], $0x8, s3, s26, $0xb8;
	[tilespmem:$0x1FBD0] =	vst v63  }
0x31: {  	_ = 	snop  }
0x32: {  	[tilespmem:s26], [sflag:$0x5] =	stream.linear.gather [hbm4b:s14+s3], $0xFA0, $0x38;
	[tilespmem:$0x1FBD0] =	vst v63  }
0x33: {  	_ =	swait.ge [sflag:s24], $0xFA0  }
0x34: {  	[sflag:s24] =	ssyncset.done $0x0  }
0x35: {  	[sflag:s24] =	ssyncadd.s32 $0xFFFFF060  }
0x36: {  	[tilespmem:s29], [sflag:$0x5] =	stream.linear.gather [hbm4b:s15+s3], $0xFA0, $0x38;
	[tilespmem:$0x1FBD0] =	vst v63  }
0x37: {  	_ =	swait.ge [sflag:s24], $0xFA0  }
0x38: {  	[sflag:s24] =	ssyncset.done $0x0  }
0x39: {  	[sflag:s24] =	ssyncadd.s32 $0xFFFFF060  }
0x3a: {  	[tilespmem:s30], [sflag:$0x2] =	stream.indirect.gather [hbm4b:s5+s26], $0x8, s26, s26, $0xb8;
	[tilespmem:$0x1FBD0] =	vst v63  }
0x3b: {  	_ =	swait.ge [sflag:s31], $0x7D00  }
0x3c: {  	[sflag:s31] =	ssyncset.done $0x0  }
0x3d: {  	[sflag:s31] =	ssyncadd.s32 $0xFFFF8300  }
0x3e: {  	[spmem:s2] =	stream.indirect.scatter.add.f32 [tilespmem:s28], [sflag:$0x3], $0x8, s25, s26, $0xb8;
	[tilespmem:$0x1FBD0] =	vst v63  }
0x3f: {  	_ =	swait.ge [sflag:s0], $0x7D00  }
0x40: {  	[sflag:s0] =	ssyncset.done $0x0  }
0x41: {  	[sflag:s0] =	ssyncadd.s32 $0xFFFF8300  }
0x42: {  	[tilespmem:s3], [sflag:$0x5] =	stream.linear.gather [hbm4b:s16+s3], $0xFA0, $0x38;
	[tilespmem:$0x1FBD0] =	vst v63  }
0x43: {  	_ =	swait.ge [sflag:s24], $0xFA0  }
0x44: {  	[sflag:s24] =	ssyncset.done $0x0  }
0x45: {  	[sflag:s24] =	ssyncadd.s32 $0xFFFFF060  }
0x46: {  	[tilespmem:s25], [sflag:$0x5] =	stream.linear.gather [hbm4b:s17+s3], $0xFA0, $0x38;
	[tilespmem:$0x1FBD0] =	vst v63  }
0x47: {  	_ =	swait.ge [sflag:s24], $0xFA0  }
0x48: {  	[sflag:s24] =	ssyncset.done $0x0  }
0x49: {  	[sflag:s24] =	ssyncadd.s32 $0xFFFFF060  }
0x4a: {  	[tilespmem:s28], [sflag:$0x1] =	stream.indirect.gather [hbm4b:s5+s26], $0x8, s3, s26, $0xb8;
	[tilespmem:$0x1FBD0] =	vst v63  }
0x4b: {  	_ =	swait.ge [sflag:s4], $0x7D00  }
0x4c: {  	[sflag:s4] =	ssyncset.done $0x0  }
0x4d: {  	[sflag:s4] =	ssyncadd.s32 $0xFFFF8300  }
0x4e: {  	[spmem:s2] =	stream.indirect.scatter.add.f32 [tilespmem:s30], [sflag:$0x4], $0x8, s29, s26, $0xb8;
	[tilespmem:$0x1FBD0] =	vst v63  }
0x4f: {  	_ =	swait.ge [sflag:s1], $0x7D00  }
0x50: {  	[sflag:s1] =	ssyncset.done $0x0  }
0x51: {  	s12 =	sadd.s32 $0x0, s22;
	[sflag:s1] =	ssyncadd.s32 $0xFFFF8300  }
0x52: {  	[tilespmem:s26], [sflag:$0x5] =	stream.linear.gather [hbm4b:s12+s3], $0xFA0, $0x38;
	[tilespmem:$0x1FBD0] =	vst v63  }
0x53: {  	_ =	swait.ge [sflag:s24], $0xFA0  }
0x54: {  	[sflag:s24] =	ssyncset.done $0x0  }
0x55: {  	s13 =	sadd.s32 $0x0, s23;
	[sflag:s24] =	ssyncadd.s32 $0xFFFFF060  }
0x56: {  	[tilespmem:s29], [sflag:$0x5] =	stream.linear.gather [hbm4b:s13+s3], $0xFA0, $0x38;
	[tilespmem:$0x1FBD0] =	vst v63  }
0x57: {  	_ =	swait.ge [sflag:s24], $0xFA0  }
0x58: {  	[sflag:s24] =	ssyncset.done $0x0  }
0x59: {  	[sflag:s24] =	ssyncadd.s32 $0xFFFFF060  }
0x5a: {  	[tilespmem:s30], [sflag:$0x2] =	stream.indirect.gather [hbm4b:s5+s26], $0x8, s26, s26, $0xb8;
	[tilespmem:$0x1FBD0] =	vst v63  }
0x5b: {  	_ =	swait.ge [sflag:s31], $0x7D00  }
0x5c: {  	[sflag:s31] =	ssyncset.done $0x0  }
0x5d: {  	[sflag:s31] =	ssyncadd.s32 $0xFFFF8300  }
0x5e: {  	[spmem:s2] =	stream.indirect.scatter.add.f32 [tilespmem:s28], [sflag:$0x3], $0x8, s25, s26, $0xb8;
	[tilespmem:$0x1FBD0] =	vst v63  }
0x5f: {  	_ =	swait.ge [sflag:s0], $0x7D00  }
0x60: {  	[sflag:s0] =	ssyncset.done $0x0  }
0x61: {  	s12 =	sadd.s32 $0x0, s20;
	[sflag:s0] =	ssyncadd.s32 $0xFFFF8300  }
0x62: {  	[tilespmem:s3], [sflag:$0x5] =	stream.linear.gather [hbm4b:s12+s3], $0xFA0, $0x38;
	[tilespmem:$0x1FBD0] =	vst v63  }
0x63: {  	_ =	swait.ge [sflag:s24], $0xFA0  }
0x64: {  	[sflag:s24] =	ssyncset.done $0x0  }
0x65: {  	s13 =	sadd.s32 $0x0, s21;
	[sflag:s24] =	ssyncadd.s32 $0xFFFFF060  }
0x66: {  	[tilespmem:s25], [sflag:$0x5] =	stream.linear.gather [hbm4b:s13+s3], $0xFA0, $0x38;
	[tilespmem:$0x1FBD0] =	vst v63  }
0x67: {  	_ =	swait.ge [sflag:s24], $0xFA0  }
0x68: {  	[sflag:s24] =	ssyncset.done $0x0  }
0x69: {  	[sflag:s24] =	ssyncadd.s32 $0xFFFFF060  }
0x6a: {  	[tilespmem:s28], [sflag:$0x1] =	stream.indirect.gather [hbm4b:s5+s26], $0x8, s3, s26, $0xb8;
	[tilespmem:$0x1FBD0] =	vst v63  }
0x6b: {  	_ =	swait.ge [sflag:s4], $0x7D00  }
0x6c: {  	[sflag:s4] =	ssyncset.done $0x0  }
0x6d: {  	s11 =	simm.s32 $0x3E8;
	[sflag:s4] =	ssyncadd.s32 $0xFFFF8300  }
.LBB2_2:
0x6e: {  	[spmem:s2] =	stream.indirect.scatter.add.f32 [tilespmem:s30], [sflag:$0x4], $0x8, s29, s26, $0xb8;
	[tilespmem:$0x1FBD0] =	vst v63  }
0x6f: {  	s12 =	smov.u32 s11;
	s11 =	sadd.s32 $0x3E8, s11;
	_ =	swait.ge [sflag:s1], $0x7D00  }
0x70: {  	p1 =	sne.s32 s11, $0x59D8;
	[sflag:s1] =	ssyncset.done $0x0  }
0x71: {  	s13 =	sadd.s32 s12, s22;
	[sflag:s1] =	ssyncadd.s32 $0xFFFF8300  }
0x72: {  	[tilespmem:s26], [sflag:$0x5] =	stream.linear.gather [hbm4b:s13+s3], $0xFA0, $0x38;
	[tilespmem:$0x1FBD0] =	vst v63  }
0x73: {  	_ =	swait.ge [sflag:s24], $0xFA0  }
0x74: {  	[sflag:s24] =	ssyncset.done $0x0  }
0x75: {  	s13 =	sadd.s32 s12, s23;
	[sflag:s24] =	ssyncadd.s32 $0xFFFFF060  }
0x76: {  	[tilespmem:s29], [sflag:$0x5] =	stream.linear.gather [hbm4b:s13+s3], $0xFA0, $0x38;
	[tilespmem:$0x1FBD0] =	vst v63  }
0x77: {  	_ =	swait.ge [sflag:s24], $0xFA0  }
0x78: {  	[sflag:s24] =	ssyncset.done $0x0  }
0x79: {  	[sflag:s24] =	ssyncadd.s32 $0xFFFFF060  }
0x7a: {  	[tilespmem:s30], [sflag:$0x2] =	stream.indirect.gather [hbm4b:s5+s26], $0x8, s26, s26, $0xb8;
	[tilespmem:$0x1FBD0] =	vst v63  }
0x7b: {  	_ =	swait.ge [sflag:s31], $0x7D00  }
0x7c: {  	[sflag:s31] =	ssyncset.done $0x0  }
0x7d: {  	[sflag:s31] =	ssyncadd.s32 $0xFFFF8300  }
0x7e: {  	[spmem:s2] =	stream.indirect.scatter.add.f32 [tilespmem:s28], [sflag:$0x3], $0x8, s25, s26, $0xb8;
	[tilespmem:$0x1FBD0] =	vst v63  }
0x7f: {  	_ =	swait.ge [sflag:s0], $0x7D00  }
0x80: {  	[sflag:s0] =	ssyncset.done $0x0  }
0x81: {  	s13 =	sadd.s32 s12, s20;
	[sflag:s0] =	ssyncadd.s32 $0xFFFF8300  }
0x82: {  	[tilespmem:s3], [sflag:$0x5] =	stream.linear.gather [hbm4b:s13+s3], $0xFA0, $0x38;
	[tilespmem:$0x1FBD0] =	vst v63  }
0x83: {  	_ =	swait.ge [sflag:s24], $0xFA0  }
0x84: {  	[sflag:s24] =	ssyncset.done $0x0  }
0x85: {  	s12 =	sadd.s32 s12, s21;
	[sflag:s24] =	ssyncadd.s32 $0xFFFFF060  }
0x86: {  	[tilespmem:s25], [sflag:$0x5] =	stream.linear.gather [hbm4b:s12+s3], $0xFA0, $0x38;
	[tilespmem:$0x1FBD0] =	vst v63  }
0x87: {  	_ =	swait.ge [sflag:s24], $0xFA0  }
0x88: {  	[sflag:s24] =	ssyncset.done $0x0  }
.Ltmp0:
0x89: {  	[sflag:s24] =	ssyncadd.s32 $0xFFFFF060;
	(pc) =	sbr.rel @p1 .LBB2_2-.Ltmp0, $4  }
0x8a: {  	[tilespmem:s28], [sflag:$0x1] =	stream.indirect.gather [hbm4b:s5+s26], $0x8, s3, s26, $0xb8;
	[tilespmem:$0x1FBD0] =	vst v63  }
0x8b: {  	_ =	swait.ge [sflag:s4], $0x7D00  }
0x8c: {  	[sflag:s4] =	ssyncset.done $0x0  }
0x8d: {  	[sflag:s4] =	ssyncadd.s32 $0xFFFF8300  }
0x8e: {  	[spmem:s2] =	stream.indirect.scatter.add.f32 [tilespmem:s30], [sflag:$0x4], $0x8, s29, s26, $0xb8;
	[tilespmem:$0x1FBD0] =	vst v63  }
0x8f: {  	_ =	swait.ge [sflag:s1], $0x7D00  }
0x90: {  	[sflag:s1] =	ssyncset.done $0x0  }
0x91: {  	s12 =	sadd.s32 s11, s19;
	[sflag:s1] =	ssyncadd.s32 $0xFFFF8300  }
0x92: {  	[tilespmem:s26], [sflag:$0x5] =	stream.linear.gather [hbm4b:s12+s3], $0xFA0, $0x38;
	[tilespmem:$0x1FBD0] =	vst v63  }
0x93: {  	_ =	swait.ge [sflag:s24], $0xFA0  }
0x94: {  	[sflag:s24] =	ssyncset.done $0x0  }
0x95: {  	s13 =	sadd.s32 s11, s18;
	[sflag:s24] =	ssyncadd.s32 $0xFFFFF060  }
0x96: {  	[tilespmem:s29], [sflag:$0x5] =	stream.linear.gather [hbm4b:s13+s3], $0xFA0, $0x38;
	[tilespmem:$0x1FBD0] =	vst v63  }
0x97: {  	_ =	swait.ge [sflag:s24], $0xFA0  }
0x98: {  	[sflag:s24] =	ssyncset.done $0x0  }
0x99: {  	[sflag:s24] =	ssyncadd.s32 $0xFFFFF060  }
0x9a: {  	[tilespmem:s30], [sflag:$0x2] =	stream.indirect.gather [hbm4b:s5+s26], $0x8, s26, s26, $0xb8;
	[tilespmem:$0x1FBD0] =	vst v63  }
0x9b: {  	_ =	swait.ge [sflag:s31], $0x7D00  }
0x9c: {  	[sflag:s31] =	ssyncset.done $0x0  }
0x9d: {  	[sflag:s31] =	ssyncadd.s32 $0xFFFF8300  }
0x9e: {  	[spmem:s2] =	stream.indirect.scatter.add.f32 [tilespmem:s28], [sflag:$0x3], $0x8, s25, s26, $0xb8;
	[tilespmem:$0x1FBD0] =	vst v63  }
0x9f: {  	_ =	swait.ge [sflag:s4], $0x7D00  }
0xa0: {  	[sflag:s4] =	ssyncset.done $0x0  }
0xa1: {  	[sflag:s4] =	ssyncadd.s32 $0xFFFF8300  }
0xa2: {  	[spmem:s2] =	stream.indirect.scatter.add.f32 [tilespmem:s30], [sflag:$0x4], $0x8, s29, s26, $0xb8;
	[tilespmem:$0x1FBD0] =	vst v63  }
0xa3: {  	_ =	swait.ge [sflag:s0], $0x7D00  }
0xa4: {  	[sflag:s0] =	ssyncset.done $0x0  }
0xa5: {  	[sflag:s0] =	ssyncadd.s32 $0xFFFF8300  }
0xa6: {  	_ =	swait.ge [sflag:s1], $0x7D00  }
0xa7: {  	[sflag:s1] =	ssyncset.done $0x0  }
0xa8: {  	[sflag:s1] =	ssyncadd.s32 $0xFFFF8300  }
0xa9: {  	[bflag:$0x0] =	sbarrier.arrive $0xFFFF  }
0xaa: {  	s12 =	rddreg [dreg:$0x7]  }
0xab: {  	[hbm:s12], [sflag:s7] =	dma.local [spmem:s8], $0x1868  }
0xac: {  	_ =	swait.ge [sflag:s24], $0x1868  }
0xad: {  	[sflag:s24] =	ssyncset.done $0x0  }
0xae: {  	s8 =	rddreg [dreg:$0x8];
	[sflag:s24] =	ssyncadd.s32 $0xFFFFE798  }
0xaf: {  	[hbm:s8], [sflag:s7] =	dma.local @!p0 [spmem:s10], $0x20  }
0xb0: {  	s8 =	simm.s32 @!p0 $0x5  }
0xb1: {  	_ =	swait.ge @!p0 [sflag:s8], $0x20  }
0xb2: {  	s6 =	sadd.s32 $0x1, s6;
	s13 =	rddreg [dreg:$0x9]  }
0xb3: {  	p1 =	sne.s32 s6, s13  }
.Ltmp1:
0xb4: {  	_ = 	snop;
	(pc) =	sbr.rel @p1 .LBB2_1-.Ltmp1, $3  }
0xb5: {  	_ =	sdelay $0x1  }
0xb6: {  	[sflag:s8] =	ssyncset.done @!p0 $0x0  }
0xb7: {  	[sflag:s8] =	ssyncadd.s32 @!p0 $0xFFFFFFE0  }
0xb8: {  	_ =	sfence.sel $0x180000  }
0xb9: {  	[bflag:$0x0] =	sbarrier.arrive $0xFFFF  }
0xba: {  	_ =	strace $0x9000004D  }
0xbb: {  	s0 =	stileid.u32;
	[bflag:$0x2] =	sbarrier.arrive $0xFFFF  }
0xbc: {  	p0 =	sne.s32 s0, $0x0;
	s0 =	rddreg [dreg:$0x3]  }
0xbd: {  	s0 =	sadd.s32 @!p0 $0x100000, s0  }
0xbe: {  	[sflag:s0] =	ssyncadd.tile.s32 @!p0 $0x1;
	_ =	shalt  }
.Lfunc_end2:
_tile_overlayer_lowered:
.L_overlay_start_2:
0xbf: {  	(tag) =	ssettag $0x2  }
0xc0: {  	s0 =	rddreg [dreg:$0x0];
	s2 =	stileid.u32  }
0xc1: {  	s1 =	rddreg [dreg:$0x1];
	p0 =	sne.s32 s2, $0x0  }
0xc2: {  	s3 =	rddreg [dreg:$0x2];
	[bflag:$0x3] =	sbarrier.arrive $0xFFFF;
	s2 =	simm.s32 @!p0 $0x1C05  }
0xc3: {  	[timem:s3], [sflag:s2] =	dma.local @!p0 [hbm:s0], s1  }
0xc4: {  	s0 =	simm.s32 @!p0 $0x5  }
0xc5: {  	_ =	swait.ge @!p0 [sflag:s0], s1  }
0xc6: {  	s1 =	ssub.s32 @!p0 $0x0, s1;
	[sflag:s0] =	ssyncset.done @!p0 $0x0  }
0xc7: {  	[sflag:s0] =	ssyncadd.s32 @!p0 s1  }
0xc8: {  	[bflag:$0x3] =	sbarrier.arrive $0xFFFF  }
0xc9: {  	_ =	shalt  }

// kernel: kernel.14.cloned.1.call-start
scs
__scs_entry_jumppad:
0x0: {  	(pc) =	sbr.rel $0x88, $3  }
0x1: {  	(tag) =	ssettag $0x0;
	lr =	simm.s32 $0x1  }
0x2: {  	[smem:$0x3F9B] =	sst lr;
	_ =	strace $0xD0000000  }
0x3: {  	_ = 	snop  }
0x4: {  	_ = 	snop  }
0x5: {  	_ = 	snop  }
0x6: {  	_ = 	snop  }
0x7: {  	_ = 	snop  }
__scs_overlays_trampoline_lowered:
0x8: {  	[smem:$0x3FAA] =	sst s0  }
0x9: {  	[smem:$0x3FAB] =	sst s1  }
0xa: {  	[smem:$0x3FAC] =	sst s2  }
0xb: {  	[smem:$0x3FAD] =	sst s3  }
0xc: {  	[smem:$0x3FAE] =	sst s4  }
0xd: {  	[smem:$0x3FAF] =	sst s5  }
0xe: {  	[smem:$0x3FB0] =	sst s6  }
0xf: {  	[smem:$0x3FB1] =	sst s7  }
0x10: {  	[smem:$0x3FB2] =	sst s8  }
0x11: {  	[smem:$0x3FB3] =	sst s9;
	s0 =	simm.s32 @!p0 $0x0  }
0x12: {  	s1 =	sld [smem:$0x3F99];
	s0 =	simm.s32 @p0 $0x1  }
0x13: {  	[smem:$0x3FB4] =	sst s0;
	s0 =	simm.s32 @!p1 $0x0  }
0x14: {  	s2 =	sld [smem:$0x3F98];
	s0 =	simm.s32 @p1 $0x1  }
0x15: {  	[smem:$0x3FB5] =	sst s0;
	s0 =	simm.s32 @!p2 $0x0  }
0x16: {  	s3 =	sld [smem:$0x3FDB];
	s0 =	simm.s32 @p2 $0x1  }
0x17: {  	s4 =	simm.s32 $0x1BF5;
	[smem:$0x3FB7] =	sst s0  }
0x18: {  	s0 =	sld [smem:$0x3F9A];
	_ =	swait.ge [sflag:s4], $0x0  }
0x19: {  	s7 =	sld [smem:$0x3F9B]  }
0x1a: {  	s8 =	sadd.s32 $0xFFFFE003, lr  }
0x1b: {  	s9 =	sadd.s32 $0xFFFFFEF7, lr;
	s5 =	simm.s32 $0xFFFFFFFF;
	p2 =	slt.u32 s8, $0xFFFFF086  }
0x1c: {  	p1 =	slt.u32 s9, $0xF7A;
	s5 =	simm.s32 @!p2 $0x0  }
0x1d: {  	s5 =	simm.s32 @p1 $0x1;
	p0 =	seq.s32 s7, s2  }
0x1e: {  	s7 =	smul.u32 @!p0 $0xF7A, s2;
	p2 =	seq.s32 @!p0 s5, $0x0  }
0x1f: {  	s9 =	smul.u32 $0xF7A, s1;
	s8 =	simm.s32 @!p0 $0x1BF5;
	p2 =	por !p2, p0  }
0x20: {  	[sflag:s8] =	ssyncset.s32 @!p0 $0xFFFFF086;
	s6 =	sadd.s32 @!p0 s3, s7;
	s7 =	simm.s32 @!p0 $0x108  }
0x21: {  	s3 =	sadd.s32 s3, s9;
	s6 =	sadd.s32 @!p0 $0x88, s6;
	s7 =	simm.s32 @p2 $0x1082  }
0x22: {  	[simem:s7], [sflag:s8] =	dma.local @!p0 [hbm:s6], $0xF7A  }
0x23: {  	s9 =	sor.u32 $0xD0000000, s2;
	s6 =	simm.s32 $0x108;
	_ =	swait.ge @!p0 [sflag:s8], $0x0  }
0x24: {  	s3 =	sadd.s32 $0x88, s3;
	s6 =	simm.s32 @!p1 $0x1082;
	[sflag:s4] =	ssyncset.s32 $0xFFFFF086  }
0x25: {  	[simem:s6], [sflag:s4] =	dma.local [hbm:s3], $0xF7A  }
0x26: {  	[smem:$0x3F9B] =	sst s1;
	(tag) =	ssettag s2;
	_ =	strace s9  }
0x27: {  	s1 =	sld [smem:$0x3FAB]  }
0x28: {  	s2 =	sld [smem:$0x3FAC]  }
0x29: {  	s4 =	sld [smem:$0x3FAE]  }
0x2a: {  	p0 =	seq.s32 s5, $0x0;
	s5 =	sld [smem:$0x3FAF]  }
0x2b: {  	s6 =	sld [smem:$0x3FB0]  }
0x2c: {  	s7 =	sld [smem:$0x3FB1]  }
0x2d: {  	s3 =	simm.s32 $0x108;
	s8 =	sld [smem:$0x3FB2]  }
0x2e: {  	s3 =	simm.s32 @!p0 $0x1082;
	s9 =	sld [smem:$0x3FB3]  }
0x2f: {  	lr =	sadd.s32 s0, s3;
	s0 =	sld [smem:$0x3FAA]  }
0x30: {  	s3 =	sld [smem:$0x3FAD]  }
0x31: {  	[smem:$0x3FB6] =	sst s10  }
0x32: {  	s10 =	sld [smem:$0x3FB4];
	_ =	sdelay $0x3  }
0x33: {  	p0 =	seq.s32 s10, $0x1;
	s10 =	sld [smem:$0x3FB6];
	_ =	sdelay $0x3  }
0x34: {  	[smem:$0x3FB6] =	sst s10  }
0x35: {  	s10 =	sld [smem:$0x3FB5];
	_ =	sdelay $0x3  }
0x36: {  	p1 =	seq.s32 s10, $0x1;
	s10 =	sld [smem:$0x3FB6];
	_ =	sdelay $0x3  }
0x37: {  	[smem:$0x3FB6] =	sst s10  }
0x38: {  	s10 =	sld [smem:$0x3FB7]  }
0x39: {  	_ = 	snop;
	(pc) =	sbr.ind lr, $3  }
0x3a: {  	_ = 	snop  }
0x3b: {  	_ = 	snop  }
0x3c: {  	p2 =	seq.s32 s10, $0x1;
	s10 =	sld [smem:$0x3FB6]  }
0x3d: {  	_ =	shalt  }
0x3e: {  	_ =	shalt  }
0x3f: {  	_ =	shalt  }
0x40: {  	_ =	shalt  }
0x41: {  	_ =	shalt  }
0x42: {  	_ =	shalt  }
0x43: {  	_ =	shalt  }
0x44: {  	_ =	shalt  }
0x45: {  	_ =	shalt  }
0x46: {  	_ =	shalt  }
0x47: {  	_ =	shalt  }
0x48: {  	_ =	shalt  }
0x49: {  	_ =	shalt  }
0x4a: {  	_ =	shalt  }
0x4b: {  	_ =	shalt  }
0x4c: {  	_ =	shalt  }
0x4d: {  	_ =	shalt  }
0x4e: {  	_ =	shalt  }
0x4f: {  	_ =	shalt  }
0x50: {  	_ =	shalt  }
0x51: {  	_ =	shalt  }
0x52: {  	_ =	shalt  }
0x53: {  	_ =	shalt  }
0x54: {  	_ =	shalt  }
0x55: {  	_ =	shalt  }
0x56: {  	_ =	shalt  }
0x57: {  	_ =	shalt  }
0x58: {  	_ =	shalt  }
0x59: {  	_ =	shalt  }
0x5a: {  	_ =	shalt  }
0x5b: {  	_ =	shalt  }
0x5c: {  	_ =	shalt  }
0x5d: {  	_ =	shalt  }
0x5e: {  	_ =	shalt  }
0x5f: {  	_ =	shalt  }
0x60: {  	_ =	shalt  }
0x61: {  	_ =	shalt  }
0x62: {  	_ =	shalt  }
0x63: {  	_ =	shalt  }
0x64: {  	_ =	shalt  }
0x65: {  	_ =	shalt  }
0x66: {  	_ =	shalt  }
0x67: {  	_ =	shalt  }
0x68: {  	_ =	shalt  }
0x69: {  	_ =	shalt  }
0x6a: {  	_ =	shalt  }
0x6b: {  	_ =	shalt  }
0x6c: {  	_ =	shalt  }
0x6d: {  	_ =	shalt  }
0x6e: {  	_ =	shalt  }
0x6f: {  	_ =	shalt  }
0x70: {  	_ =	shalt  }
0x71: {  	_ =	shalt  }
0x72: {  	_ =	shalt  }
0x73: {  	_ =	shalt  }
0x74: {  	_ =	shalt  }
0x75: {  	_ =	shalt  }
0x76: {  	_ =	shalt  }
0x77: {  	_ =	shalt  }
0x78: {  	_ =	shalt  }
0x79: {  	_ =	shalt  }
0x7a: {  	_ =	shalt  }
0x7b: {  	_ =	shalt  }
0x7c: {  	_ =	shalt  }
0x7d: {  	_ =	shalt  }
0x7e: {  	_ =	shalt  }
0x7f: {  	_ =	shalt  }
0x80: {  	_ =	shalt  }
0x81: {  	_ =	shalt  }
0x82: {  	_ =	shalt  }
0x83: {  	_ =	shalt  }
0x84: {  	_ =	shalt  }
0x85: {  	_ =	shalt  }
0x86: {  	_ =	shalt  }
0x87: {  	_ =	shalt  }
.Lfunc_end0:
.L_simem_size_0:
called_computation.3_lowered:
.L_overlay_start_0:
0x88: {  	s2 =	sld [smem:$0x3FD9]  }
0x89: {  	s3 =	sld [smem:$0x3FFE];
	_ =	sdelay $0x1  }
0x8a: {  	s1 =	srdreg.scid  }
0x8b: {  	s0 =	sand.u32 $0x1, s1  }
0x8c: {  	s17 =	sshll.u32 s0, $0xA;
	s2 =	sadd.s32 s3, s2  }
0x8d: {  	s2 =	sadd.s32 s2, s17  }
0x8e: {  	[smem:$0x3FC2] =	sst s2  }
0x8f: {  	_ = 	snop  }
0x90: {  	s2 =	sld [smem:$0x3FD0];
	(tm) =	ssettm $0x1  }
0x91: {  	s18 =	sld [smem:$0x3FFB];
	_ =	sdelay $0x3  }
0x92: {  	_ =	strace s18  }
0x93: {  	s3 =	sld [smem:$0x3FFC];
	_ =	sdelay $0x3  }
0x94: {  	_ =	strace s3  }
0x95: {  	s3 =	sld [smem:$0x3FFD];
	_ =	sdelay $0x3  }
0x96: {  	_ =	strace s3  }
0x97: {  	_ =	strace $0x8FFFFFFF  }
0x98: {  	s19 =	sld [smem:$0x3FDB];
	_ =	sdelay $0x1  }
0x99: {  	s4 =	simm.s32 $_scs_section_size  }
0x9a: {  	s5 =	simm.s32 $_size__tile_overlayer_lowered;
	s6 =	simm.s32 $_tile_overlayer_lowered  }
0x9b: {  	s22 =	simm.s32 $0x1BFF;
	s21 =	sshll.u32 s6, $0x1;
	s3 =	sadd.s32 s4, s19  }
0x9c: {  	s7 =	simm.s32 $0x0;
	s20 =	sshll.u32 s5, $0x1;
	s5 =	sadd.s32 s21, s3  }
0x9d: {  	[timem:s7], [sflag:s22] =	dma.local [hbm:s5], s20  }
0x9e: {  	_ =	swait.ge [sflag:s22], s20  }
0x9f: {  	s4 =	ssub.s32 $0x0, s20;
	[sflag:s22] =	ssyncset.done $0x0  }
0xa0: {  	[sflag:s22] =	ssyncadd.s32 s4;
	_ =	sdelay $0x1  }
0xa1: {  	s23 =	simm.s32 $0x1B8B  }
0xa2: {  	_ =	swait.ge [sflag:s23], $0x1  }
0xa3: {  	[sflag:s23] =	ssyncset.done $0x0  }
0xa4: {  	s25 =	simm.s32 $0x1B8E;
	s24 =	sld [smem:$0x3FFE];
	[sflag:s23] =	ssyncadd.s32 $0xFFFFFFFF  }
0xa5: {  	s26 =	simm.s32 $execute0_lowered;
	[smem:$0x3FD2] =	sst s25  }
0xa6: {  	s5 =	sshll.u32 s26, $0x1;
	_ =	strace $0x8000004F;
	[dreg:$0x1] =	wrdreg $0xFFFFFFFF  }
0xa7: {  	s28 =	simm.s32 $_size_execute0_lowered;
	s3 =	sadd.s32 s3, s5;
	[dreg:$0x0] =	wrdreg $0x0  }
0xa8: {  	s5 =	sshll.u32 s28, $0x1;
	[dreg:$0x2] =	wrdreg s3  }
0xa9: {  	[dreg:$0x3] =	wrdreg s5  }
0xaa: {  	[dreg:$0x4] =	wrdreg $0xC0  }
0xab: {  	_ =	task [dreg:s7], $0x5FFFF  }
0xac: {  	[dreg:$0x1] =	wrdreg $0xFFFFFFFF  }
0xad: {  	[dreg:$0x0] =	wrdreg $0x60  }
0xae: {  	[dreg:$0x2] =	wrdreg s24  }
0xaf: {  	[dreg:$0x3] =	wrdreg s2  }
0xb0: {  	[dreg:$0x4] =	wrdreg $0x138800  }
0xb1: {  	[dreg:$0x5] =	wrdreg $0x9  }
0xb2: {  	_ =	task.clear_ibuf [dreg:s7], $0x6FFFF;
	_ =	strace $0x9000004F  }
0xb3: {  	s29 =	simm.s32 $0x9;
	_ =	strace $0x80000051  }
0xb4: {  	_ =	swait.ge [sflag:s29], $0x1  }
0xb5: {  	[sflag:s29] =	ssyncadd.s32 $0xFFFFFFFF  }
0xb6: {  	_ =	strace $0x90000051  }
0xb7: {  	_ =	sfence  }
0xb8: {  	s30 =	sld [smem:$0x0];
	_ =	sdelay $0x2  }
0xb9: {  	s31 =	sshll.u32 s1, $0xD;
	s1 =	sshrl.u32 s1, $0x2  }
0xba: {  	s3 =	sand.u32 $0x4000, s31;
	s1 =	sadd.s32 s1, s30  }
0xbb: {  	s0 =	sor.u32 s3, s0;
	s1 =	sshll.u32 s1, $0x11  }
0xbc: {  	s0 =	sor.u32 s1, s0  }
0xbd: {  	s0 =	sadd.s32 $0x8F2B, s0  }
0xbe: {  	[sflag:s0] =	ssyncadd.remote.s32 $0x1  }
0xbf: {  	_ =	sfence.sel $0xFFFF  }
0xc0: {  	[dreg:$0x0] =	wrdreg $0xFFFFFFFF;
	(pc) =	sbr.abs _section_cstart, $3  }
0xc1: {  	[dreg:$0x1] =	wrdreg $0xFFFFFFFF  }
0xc2: {  	_ =	task.clear_ibuf [dreg:s7], $0x2FFFF;
	_ =	strace $0x9FFFFFFF  }
0xc3: {  	(tm) =	ssettm $0x7FFFFFFF  }
tec
execute0_lowered:
.L_overlay_start_1:
0x0: {  	(tag) =	ssettag $0x1  }
0x1: {  	s0 =	rddreg [dreg:$0x0]  }
0x2: {  	s2 =	rddreg [dreg:$0x2];
	s3 =	simm.s32 $0x0  }
0x3: {  	s1 =	srdreg.scid;
	s12 =	stileid.u32;
	s28 =	simm.s32 $0x3E80  }
0x4: {  	s29 =	simm.s32 $0x2EE0;
	s30 =	simm.s32 $0xBB80;
	s31 =	simm.s32 $0x1  }
0x5: {  	[smem:$0x7FF] =	sst s3;
	s5 =	sadd.s32 $0x188C00, s0;
	s4 =	sadd.s32 $0x2200, s0  }
0x6: {  	s1 =	sand.u32 $0x1, s1;
	s10 =	smul.u32 $0xC340, s12;
	s0 =	sadd.s32 $0x1A1400, s0  }
0x7: {  	s23 =	sshll.u32 s12, $0x6;
	s9 =	sadd.s32 $0xC3400, s2;
	s26 =	smul.u32 $0x30D40, s12  }
0x8: {  	p0 =	sne.s32 s12, $0xF;
	_ =	strace $0x80000050;
	s6 =	ssub.s32 $0x2, s1  }
0x9: {  	s7 =	sshll.u32 s1, $0x4;
	s11 =	smul.u32 $0xC3500, s1;
	[dreg:$0x5] =	wrdreg s9  }
0xa: {  	s1 =	smul.u32 $0x30D400, s1;
	s8 =	sshrl.u32 s6, $0x1;
	s7 =	sor.u32 s12, s7  }
0xb: {  	s22 =	sadd.s32 s10, s2;
	s6 =	ssub.s32 s6, s8;
	s21 =	smul.u32 $0x30D40, s7  }
0xc: {  	[dreg:$0x4] =	wrdreg s22;
	s7 =	sor.u32 $0x1C05, s23;
	s24 =	sadd.s32 s10, s11  }
0xd: {  	s25 =	sshrl.u32 s11, $0x3;
	s10 =	smax.u32 s6, $0x1;
	s8 =	sshrl.u32 s21, $0x3  }
0xe: {  	[dreg:$0x9] =	wrdreg s10;
	s9 =	sadd.s32 s4, s8;
	s8 =	sshrl.u32 s24, $0x3  }
0xf: {  	s13 =	sadd.s32 $0xC3500, s9;
	s8 =	sadd.s32 s0, s8;
	s0 =	sadd.s32 s0, s25  }
0x10: {  	s14 =	sadd.s32 $0x1F4, s9;
	s15 =	sadd.s32 $0xC36F4, s9;
	s16 =	sadd.s32 $0x3E8, s9  }
0x11: {  	s17 =	sadd.s32 $0xC38E8, s9;
	[dreg:$0x6] =	wrdreg s13;
	s13 =	sadd.s32 s26, s1  }
0x12: {  	[dreg:$0x7] =	wrdreg s8;
	s0 =	sadd.s32 $0x18680, s0;
	s1 =	sadd.s32 $0x61F620, s13  }
0x13: {  	[dreg:$0x8] =	wrdreg s0;
	s21 =	sadd.s32 $0x4E20, s13;
	s25 =	sadd.s32 $0x61E680, s13  }
0x14: {  	s23 =	sadd.s32 $0x3E80, s13;
	s26 =	sadd.s32 $0x2EE0, s13;
	s0 =	sadd.s32 $0x61D6E0, s13  }
0x15: {  	s1 =	sshrl.u32 s1, $0x3;
	s6 =	sshrl.u32 s21, $0x3;
	s24 =	sshrl.u32 s23, $0x3  }
0x16: {  	s0 =	sshrl.u32 s0, $0x3;
	s1 =	sadd.s32 s1, s4;
	s22 =	sadd.s32 s6, s4  }
0x17: {  	s20 =	sadd.s32 s24, s4;
	s6 =	sshrl.u32 s25, $0x3;
	s23 =	sadd.s32 s0, s4  }
0x18: {  	s24 =	simm.s32 $0x5;
	s25 =	simm.s32 $0x1F40;
	s0 =	simm.s32 $0x3  }
0x19: {  	s18 =	sadd.s32 $0xFFFFFC18, s1;
	s19 =	sadd.s32 $0xFFFFFC18, s22;
	s1 =	sshrl.u32 s26, $0x3  }
0x1a: {  	s21 =	sadd.s32 s6, s4;
	s26 =	simm.s32 $0xFA0;
	s6 =	simm.s32 $0x0  }
0x1b: {  	s22 =	sadd.s32 s1, s4;
	s4 =	simm.s32 $0x2;
	s1 =	simm.s32 $0x4  }
.LBB2_1:
0x1c: {  	s8 =	rddreg [dreg:$0x4]  }
0x1d: {  	s11 =	rddreg [dreg:$0x1];
	s8 =	sshrl.u32 s8, $0x3  }
0x1e: {  	[spmem:s8], [sflag:s7] =	dma.local [hbm:s11], $0x1868  }
0x1f: {  	_ =	swait.ge [sflag:s24], $0x1868  }
0x20: {  	[sflag:s24] =	ssyncset.done $0x0;
	s10 =	rddreg [dreg:$0x5]  }
0x21: {  	[sflag:s24] =	ssyncadd.s32 $0xFFFFE798;
	s10 =	sshrl.u32 @!p0 s10, $0x3  }
0x22: {  	[spmem:s10], [sflag:s7] =	dma.local @!p0 [hbm:s11], $0x20  }
0x23: {  	s11 =	simm.s32 @!p0 $0x5  }
0x24: {  	_ =	swait.ge @!p0 [sflag:s11], $0x20  }
0x25: {  	[sflag:s11] =	ssyncset.done @!p0 $0x0  }
0x26: {  	[sflag:s11] =	ssyncadd.s32 @!p0 $0xFFFFFFE0  }
0x27: {  	[bflag:$0x0] =	sbarrier.arrive $0xFFFF  }
0x28: {  	[tilespmem:s3], [sflag:$0x5] =	stream.linear.gather [hbm4b:s9+s3], $0xFA0, $0x38;
	[tilespmem:$0x1FBD0] =	vst v63  }
0x29: {  	_ =	swait.ge [sflag:s24], $0xFA0  }
0x2a: {  	[sflag:s24] =	ssyncset.done $0x0  }
0x2b: {  	s13 =	rddreg [dreg:$0x6];
	[sflag:s24] =	ssyncadd.s32 $0xFFFFF060  }
0x2c: {  	[tilespmem:s25], [sflag:$0x5] =	stream.linear.gather [hbm4b:s13+s3], $0xFA0, $0x38;
	[tilespmem:$0x1FBD0] =	vst v63  }
0x2d: {  	_ =	swait.ge [sflag:s24], $0xFA0  }
0x2e: {  	[sflag:s24] =	ssyncset.done $0x0  }
0x2f: {  	[sflag:s24] =	ssyncadd.s32 $0xFFFFF060  }
0x30: {  	[tilespmem:s28], [sflag:$0x1] =	stream.indirect.gather [hbm4b:s5+s26], $0x8, s3, s26, $0xb8;
	[tilespmem:$0x1FBD0] =	vst v63  }
0x31: {  	_ = 	snop  }
0x32: {  	[tilespmem:s26], [sflag:$0x5] =	stream.linear.gather [hbm4b:s14+s3], $0xFA0, $0x38;
	[tilespmem:$0x1FBD0] =	vst v63  }
0x33: {  	_ =	swait.ge [sflag:s24], $0xFA0  }
0x34: {  	[sflag:s24] =	ssyncset.done $0x0  }
0x35: {  	[sflag:s24] =	ssyncadd.s32 $0xFFFFF060  }
0x36: {  	[tilespmem:s29], [sflag:$0x5] =	stream.linear.gather [hbm4b:s15+s3], $0xFA0, $0x38;
	[tilespmem:$0x1FBD0] =	vst v63  }
0x37: {  	_ =	swait.ge [sflag:s24], $0xFA0  }
0x38: {  	[sflag:s24] =	ssyncset.done $0x0  }
0x39: {  	[sflag:s24] =	ssyncadd.s32 $0xFFFFF060  }
0x3a: {  	[tilespmem:s30], [sflag:$0x2] =	stream.indirect.gather [hbm4b:s5+s26], $0x8, s26, s26, $0xb8;
	[tilespmem:$0x1FBD0] =	vst v63  }
0x3b: {  	_ =	swait.ge [sflag:s31], $0x7D00  }
0x3c: {  	[sflag:s31] =	ssyncset.done $0x0  }
0x3d: {  	[sflag:s31] =	ssyncadd.s32 $0xFFFF8300  }
0x3e: {  	[spmem:s2] =	stream.indirect.scatter.add.f32 [tilespmem:s28], [sflag:$0x3], $0x8, s25, s26, $0xb8;
	[tilespmem:$0x1FBD0] =	vst v63  }
0x3f: {  	_ =	swait.ge [sflag:s0], $0x7D00  }
0x40: {  	[sflag:s0] =	ssyncset.done $0x0  }
0x41: {  	[sflag:s0] =	ssyncadd.s32 $0xFFFF8300  }
0x42: {  	[tilespmem:s3], [sflag:$0x5] =	stream.linear.gather [hbm4b:s16+s3], $0xFA0, $0x38;
	[tilespmem:$0x1FBD0] =	vst v63  }
0x43: {  	_ =	swait.ge [sflag:s24], $0xFA0  }
0x44: {  	[sflag:s24] =	ssyncset.done $0x0  }
0x45: {  	[sflag:s24] =	ssyncadd.s32 $0xFFFFF060  }
0x46: {  	[tilespmem:s25], [sflag:$0x5] =	stream.linear.gather [hbm4b:s17+s3], $0xFA0, $0x38;
	[tilespmem:$0x1FBD0] =	vst v63  }
0x47: {  	_ =	swait.ge [sflag:s24], $0xFA0  }
0x48: {  	[sflag:s24] =	ssyncset.done $0x0  }
0x49: {  	[sflag:s24] =	ssyncadd.s32 $0xFFFFF060  }
0x4a: {  	[tilespmem:s28], [sflag:$0x1] =	stream.indirect.gather [hbm4b:s5+s26], $0x8, s3, s26, $0xb8;
	[tilespmem:$0x1FBD0] =	vst v63  }
0x4b: {  	_ =	swait.ge [sflag:s4], $0x7D00  }
0x4c: {  	[sflag:s4] =	ssyncset.done $0x0  }
0x4d: {  	[sflag:s4] =	ssyncadd.s32 $0xFFFF8300  }
0x4e: {  	[spmem:s2] =	stream.indirect.scatter.add.f32 [tilespmem:s30], [sflag:$0x4], $0x8, s29, s26, $0xb8;
	[tilespmem:$0x1FBD0] =	vst v63  }
0x4f: {  	_ =	swait.ge [sflag:s1], $0x7D00  }
0x50: {  	[sflag:s1] =	ssyncset.done $0x0  }
0x51: {  	s12 =	sadd.s32 $0x0, s22;
	[sflag:s1] =	ssyncadd.s32 $0xFFFF8300  }
0x52: {  	[tilespmem:s26], [sflag:$0x5] =	stream.linear.gather [hbm4b:s12+s3], $0xFA0, $0x38;
	[tilespmem:$0x1FBD0] =	vst v63  }
0x53: {  	_ =	swait.ge [sflag:s24], $0xFA0  }
0x54: {  	[sflag:s24] =	ssyncset.done $0x0  }
0x55: {  	s13 =	sadd.s32 $0x0, s23;
	[sflag:s24] =	ssyncadd.s32 $0xFFFFF060  }
0x56: {  	[tilespmem:s29], [sflag:$0x5] =	stream.linear.gather [hbm4b:s13+s3], $0xFA0, $0x38;
	[tilespmem:$0x1FBD0] =	vst v63  }
0x57: {  	_ =	swait.ge [sflag:s24], $0xFA0  }
0x58: {  	[sflag:s24] =	ssyncset.done $0x0  }
0x59: {  	[sflag:s24] =	ssyncadd.s32 $0xFFFFF060  }
0x5a: {  	[tilespmem:s30], [sflag:$0x2] =	stream.indirect.gather [hbm4b:s5+s26], $0x8, s26, s26, $0xb8;
	[tilespmem:$0x1FBD0] =	vst v63  }
0x5b: {  	_ =	swait.ge [sflag:s31], $0x7D00  }
0x5c: {  	[sflag:s31] =	ssyncset.done $0x0  }
0x5d: {  	[sflag:s31] =	ssyncadd.s32 $0xFFFF8300  }
0x5e: {  	[spmem:s2] =	stream.indirect.scatter.add.f32 [tilespmem:s28], [sflag:$0x3], $0x8, s25, s26, $0xb8;
	[tilespmem:$0x1FBD0] =	vst v63  }
0x5f: {  	_ =	swait.ge [sflag:s0], $0x7D00  }
0x60: {  	[sflag:s0] =	ssyncset.done $0x0  }
0x61: {  	s12 =	sadd.s32 $0x0, s20;
	[sflag:s0] =	ssyncadd.s32 $0xFFFF8300  }
0x62: {  	[tilespmem:s3], [sflag:$0x5] =	stream.linear.gather [hbm4b:s12+s3], $0xFA0, $0x38;
	[tilespmem:$0x1FBD0] =	vst v63  }
0x63: {  	_ =	swait.ge [sflag:s24], $0xFA0  }
0x64: {  	[sflag:s24] =	ssyncset.done $0x0  }
0x65: {  	s13 =	sadd.s32 $0x0, s21;
	[sflag:s24] =	ssyncadd.s32 $0xFFFFF060  }
0x66: {  	[tilespmem:s25], [sflag:$0x5] =	stream.linear.gather [hbm4b:s13+s3], $0xFA0, $0x38;
	[tilespmem:$0x1FBD0] =	vst v63  }
0x67: {  	_ =	swait.ge [sflag:s24], $0xFA0  }
0x68: {  	[sflag:s24] =	ssyncset.done $0x0  }
0x69: {  	[sflag:s24] =	ssyncadd.s32 $0xFFFFF060  }
0x6a: {  	[tilespmem:s28], [sflag:$0x1] =	stream.indirect.gather [hbm4b:s5+s26], $0x8, s3, s26, $0xb8;
	[tilespmem:$0x1FBD0] =	vst v63  }
0x6b: {  	_ =	swait.ge [sflag:s4], $0x7D00  }
0x6c: {  	[sflag:s4] =	ssyncset.done $0x0  }
0x6d: {  	s11 =	simm.s32 $0x3E8;
	[sflag:s4] =	ssyncadd.s32 $0xFFFF8300  }
.LBB2_2:
0x6e: {  	[spmem:s2] =	stream.indirect.scatter.add.f32 [tilespmem:s30], [sflag:$0x4], $0x8, s29, s26, $0xb8;
	[tilespmem:$0x1FBD0] =	vst v63  }
0x6f: {  	s12 =	smov.u32 s11;
	s11 =	sadd.s32 $0x3E8, s11;
	_ =	swait.ge [sflag:s1], $0x7D00  }
0x70: {  	p1 =	sne.s32 s11, $0x59D8;
	[sflag:s1] =	ssyncset.done $0x0  }
0x71: {  	s13 =	sadd.s32 s12, s22;
	[sflag:s1] =	ssyncadd.s32 $0xFFFF8300  }
0x72: {  	[tilespmem:s26], [sflag:$0x5] =	stream.linear.gather [hbm4b:s13+s3], $0xFA0, $0x38;
	[tilespmem:$0x1FBD0] =	vst v63  }
0x73: {  	_ =	swait.ge [sflag:s24], $0xFA0  }
0x74: {  	[sflag:s24] =	ssyncset.done $0x0  }
0x75: {  	s13 =	sadd.s32 s12, s23;
	[sflag:s24] =	ssyncadd.s32 $0xFFFFF060  }
0x76: {  	[tilespmem:s29], [sflag:$0x5] =	stream.linear.gather [hbm4b:s13+s3], $0xFA0, $0x38;
	[tilespmem:$0x1FBD0] =	vst v63  }
0x77: {  	_ =	swait.ge [sflag:s24], $0xFA0  }
0x78: {  	[sflag:s24] =	ssyncset.done $0x0  }
0x79: {  	[sflag:s24] =	ssyncadd.s32 $0xFFFFF060  }
0x7a: {  	[tilespmem:s30], [sflag:$0x2] =	stream.indirect.gather [hbm4b:s5+s26], $0x8, s26, s26, $0xb8;
	[tilespmem:$0x1FBD0] =	vst v63  }
0x7b: {  	_ =	swait.ge [sflag:s31], $0x7D00  }
0x7c: {  	[sflag:s31] =	ssyncset.done $0x0  }
0x7d: {  	[sflag:s31] =	ssyncadd.s32 $0xFFFF8300  }
0x7e: {  	[spmem:s2] =	stream.indirect.scatter.add.f32 [tilespmem:s28], [sflag:$0x3], $0x8, s25, s26, $0xb8;
	[tilespmem:$0x1FBD0] =	vst v63  }
0x7f: {  	_ =	swait.ge [sflag:s0], $0x7D00  }
0x80: {  	[sflag:s0] =	ssyncset.done $0x0  }
0x81: {  	s13 =	sadd.s32 s12, s20;
	[sflag:s0] =	ssyncadd.s32 $0xFFFF8300  }
0x82: {  	[tilespmem:s3], [sflag:$0x5] =	stream.linear.gather [hbm4b:s13+s3], $0xFA0, $0x38;
	[tilespmem:$0x1FBD0] =	vst v63  }
0x83: {  	_ =	swait.ge [sflag:s24], $0xFA0  }
0x84: {  	[sflag:s24] =	ssyncset.done $0x0  }
0x85: {  	s12 =	sadd.s32 s12, s21;
	[sflag:s24] =	ssyncadd.s32 $0xFFFFF060  }
0x86: {  	[tilespmem:s25], [sflag:$0x5] =	stream.linear.gather [hbm4b:s12+s3], $0xFA0, $0x38;
	[tilespmem:$0x1FBD0] =	vst v63  }
0x87: {  	_ =	swait.ge [sflag:s24], $0xFA0  }
0x88: {  	[sflag:s24] =	ssyncset.done $0x0  }
.Ltmp0:
0x89: {  	[sflag:s24] =	ssyncadd.s32 $0xFFFFF060;
	(pc) =	sbr.rel @p1 .LBB2_2-.Ltmp0, $4  }
0x8a: {  	[tilespmem:s28], [sflag:$0x1] =	stream.indirect.gather [hbm4b:s5+s26], $0x8, s3, s26, $0xb8;
	[tilespmem:$0x1FBD0] =	vst v63  }
0x8b: {  	_ =	swait.ge [sflag:s4], $0x7D00  }
0x8c: {  	[sflag:s4] =	ssyncset.done $0x0  }
0x8d: {  	[sflag:s4] =	ssyncadd.s32 $0xFFFF8300  }
0x8e: {  	[spmem:s2] =	stream.indirect.scatter.add.f32 [tilespmem:s30], [sflag:$0x4], $0x8, s29, s26, $0xb8;
	[tilespmem:$0x1FBD0] =	vst v63  }
0x8f: {  	_ =	swait.ge [sflag:s1], $0x7D00  }
0x90: {  	[sflag:s1] =	ssyncset.done $0x0  }
0x91: {  	s12 =	sadd.s32 s11, s19;
	[sflag:s1] =	ssyncadd.s32 $0xFFFF8300  }
0x92: {  	[tilespmem:s26], [sflag:$0x5] =	stream.linear.gather [hbm4b:s12+s3], $0xFA0, $0x38;
	[tilespmem:$0x1FBD0] =	vst v63  }
0x93: {  	_ =	swait.ge [sflag:s24], $0xFA0  }
0x94: {  	[sflag:s24] =	ssyncset.done $0x0  }
0x95: {  	s13 =	sadd.s32 s11, s18;
	[sflag:s24] =	ssyncadd.s32 $0xFFFFF060  }
0x96: {  	[tilespmem:s29], [sflag:$0x5] =	stream.linear.gather [hbm4b:s13+s3], $0xFA0, $0x38;
	[tilespmem:$0x1FBD0] =	vst v63  }
0x97: {  	_ =	swait.ge [sflag:s24], $0xFA0  }
0x98: {  	[sflag:s24] =	ssyncset.done $0x0  }
0x99: {  	[sflag:s24] =	ssyncadd.s32 $0xFFFFF060  }
0x9a: {  	[tilespmem:s30], [sflag:$0x2] =	stream.indirect.gather [hbm4b:s5+s26], $0x8, s26, s26, $0xb8;
	[tilespmem:$0x1FBD0] =	vst v63  }
0x9b: {  	_ =	swait.ge [sflag:s31], $0x7D00  }
0x9c: {  	[sflag:s31] =	ssyncset.done $0x0  }
0x9d: {  	[sflag:s31] =	ssyncadd.s32 $0xFFFF8300  }
0x9e: {  	[spmem:s2] =	stream.indirect.scatter.add.f32 [tilespmem:s28], [sflag:$0x3], $0x8, s25, s26, $0xb8;
	[tilespmem:$0x1FBD0] =	vst v63  }
0x9f: {  	_ =	swait.ge [sflag:s4], $0x7D00  }
0xa0: {  	[sflag:s4] =	ssyncset.done $0x0  }
0xa1: {  	[sflag:s4] =	ssyncadd.s32 $0xFFFF8300  }
0xa2: {  	[spmem:s2] =	stream.indirect.scatter.add.f32 [tilespmem:s30], [sflag:$0x4], $0x8, s29, s26, $0xb8;
	[tilespmem:$0x1FBD0] =	vst v63  }
0xa3: {  	_ =	swait.ge [sflag:s0], $0x7D00  }
0xa4: {  	[sflag:s0] =	ssyncset.done $0x0  }
0xa5: {  	[sflag:s0] =	ssyncadd.s32 $0xFFFF8300  }
0xa6: {  	_ =	swait.ge [sflag:s1], $0x7D00  }
0xa7: {  	[sflag:s1] =	ssyncset.done $0x0  }
0xa8: {  	[sflag:s1] =	ssyncadd.s32 $0xFFFF8300  }
0xa9: {  	[bflag:$0x0] =	sbarrier.arrive $0xFFFF  }
0xaa: {  	s12 =	rddreg [dreg:$0x7]  }
0xab: {  	[hbm:s12], [sflag:s7] =	dma.local [spmem:s8], $0x1868  }
0xac: {  	_ =	swait.ge [sflag:s24], $0x1868  }
0xad: {  	[sflag:s24] =	ssyncset.done $0x0  }
0xae: {  	s8 =	rddreg [dreg:$0x8];
	[sflag:s24] =	ssyncadd.s32 $0xFFFFE798  }
0xaf: {  	[hbm:s8], [sflag:s7] =	dma.local @!p0 [spmem:s10], $0x20  }
0xb0: {  	s8 =	simm.s32 @!p0 $0x5  }
0xb1: {  	_ =	swait.ge @!p0 [sflag:s8], $0x20  }
0xb2: {  	s6 =	sadd.s32 $0x1, s6;
	s13 =	rddreg [dreg:$0x9]  }
0xb3: {  	p1 =	sne.s32 s6, s13  }
.Ltmp1:
0xb4: {  	_ = 	snop;
	(pc) =	sbr.rel @p1 .LBB2_1-.Ltmp1, $3  }
0xb5: {  	_ =	sdelay $0x1  }
0xb6: {  	[sflag:s8] =	ssyncset.done @!p0 $0x0  }
0xb7: {  	[sflag:s8] =	ssyncadd.s32 @!p0 $0xFFFFFFE0  }
0xb8: {  	_ =	sfence.sel $0x180000  }
0xb9: {  	[bflag:$0x0] =	sbarrier.arrive $0xFFFF  }
0xba: {  	_ =	strace $0x90000050  }
0xbb: {  	s0 =	stileid.u32;
	[bflag:$0x2] =	sbarrier.arrive $0xFFFF  }
0xbc: {  	p0 =	sne.s32 s0, $0x0;
	s0 =	rddreg [dreg:$0x3]  }
0xbd: {  	s0 =	sadd.s32 @!p0 $0x100000, s0  }
0xbe: {  	[sflag:s0] =	ssyncadd.tile.s32 @!p0 $0x1;
	_ =	shalt  }
.Lfunc_end2:
_tile_overlayer_lowered:
.L_overlay_start_2:
0xbf: {  	(tag) =	ssettag $0x2  }
0xc0: {  	s0 =	rddreg [dreg:$0x0];
	s2 =	stileid.u32  }
0xc1: {  	s1 =	rddreg [dreg:$0x1];
	p0 =	sne.s32 s2, $0x0  }
0xc2: {  	s3 =	rddreg [dreg:$0x2];
	[bflag:$0x3] =	sbarrier.arrive $0xFFFF;
	s2 =	simm.s32 @!p0 $0x1C05  }
0xc3: {  	[timem:s3], [sflag:s2] =	dma.local @!p0 [hbm:s0], s1  }
0xc4: {  	s0 =	simm.s32 @!p0 $0x5  }
0xc5: {  	_ =	swait.ge @!p0 [sflag:s0], s1  }
0xc6: {  	s1 =	ssub.s32 @!p0 $0x0, s1;
	[sflag:s0] =	ssyncset.done @!p0 $0x0  }
0xc7: {  	[sflag:s0] =	ssyncadd.s32 @!p0 s1  }
0xc8: {  	[bflag:$0x3] =	sbarrier.arrive $0xFFFF  }
0xc9: {  	_ =	shalt  }

// kernel: kernel.8.cloned.1.call-start
scs
__scs_entry_jumppad:
0x0: {  	(pc) =	sbr.rel $0x88, $3  }
0x1: {  	(tag) =	ssettag $0x0;
	lr =	simm.s32 $0x1  }
0x2: {  	[smem:$0x3F9B] =	sst lr;
	_ =	strace $0xD0000000  }
0x3: {  	_ = 	snop  }
0x4: {  	_ = 	snop  }
0x5: {  	_ = 	snop  }
0x6: {  	_ = 	snop  }
0x7: {  	_ = 	snop  }
__scs_overlays_trampoline_lowered:
0x8: {  	[smem:$0x3FAA] =	sst s0  }
0x9: {  	[smem:$0x3FAB] =	sst s1  }
0xa: {  	[smem:$0x3FAC] =	sst s2  }
0xb: {  	[smem:$0x3FAD] =	sst s3  }
0xc: {  	[smem:$0x3FAE] =	sst s4  }
0xd: {  	[smem:$0x3FAF] =	sst s5  }
0xe: {  	[smem:$0x3FB0] =	sst s6  }
0xf: {  	[smem:$0x3FB1] =	sst s7  }
0x10: {  	[smem:$0x3FB2] =	sst s8  }
0x11: {  	[smem:$0x3FB3] =	sst s9;
	s0 =	simm.s32 @!p0 $0x0  }
0x12: {  	s1 =	sld [smem:$0x3F99];
	s0 =	simm.s32 @p0 $0x1  }
0x13: {  	[smem:$0x3FB4] =	sst s0;
	s0 =	simm.s32 @!p1 $0x0  }
0x14: {  	s2 =	sld [smem:$0x3F98];
	s0 =	simm.s32 @p1 $0x1  }
0x15: {  	[smem:$0x3FB5] =	sst s0;
	s0 =	simm.s32 @!p2 $0x0  }
0x16: {  	s3 =	sld [smem:$0x3FDB];
	s0 =	simm.s32 @p2 $0x1  }
0x17: {  	s4 =	simm.s32 $0x1BF5;
	[smem:$0x3FB7] =	sst s0  }
0x18: {  	s0 =	sld [smem:$0x3F9A];
	_ =	swait.ge [sflag:s4], $0x0  }
0x19: {  	s7 =	sld [smem:$0x3F9B]  }
0x1a: {  	s8 =	sadd.s32 $0xFFFFE003, lr  }
0x1b: {  	s9 =	sadd.s32 $0xFFFFFEF7, lr;
	s5 =	simm.s32 $0xFFFFFFFF;
	p2 =	slt.u32 s8, $0xFFFFF086  }
0x1c: {  	p1 =	slt.u32 s9, $0xF7A;
	s5 =	simm.s32 @!p2 $0x0  }
0x1d: {  	s5 =	simm.s32 @p1 $0x1;
	p0 =	seq.s32 s7, s2  }
0x1e: {  	s7 =	smul.u32 @!p0 $0xF7A, s2;
	p2 =	seq.s32 @!p0 s5, $0x0  }
0x1f: {  	s9 =	smul.u32 $0xF7A, s1;
	s8 =	simm.s32 @!p0 $0x1BF5;
	p2 =	por !p2, p0  }
0x20: {  	[sflag:s8] =	ssyncset.s32 @!p0 $0xFFFFF086;
	s6 =	sadd.s32 @!p0 s3, s7;
	s7 =	simm.s32 @!p0 $0x108  }
0x21: {  	s3 =	sadd.s32 s3, s9;
	s6 =	sadd.s32 @!p0 $0x88, s6;
	s7 =	simm.s32 @p2 $0x1082  }
0x22: {  	[simem:s7], [sflag:s8] =	dma.local @!p0 [hbm:s6], $0xF7A  }
0x23: {  	s9 =	sor.u32 $0xD0000000, s2;
	s6 =	simm.s32 $0x108;
	_ =	swait.ge @!p0 [sflag:s8], $0x0  }
0x24: {  	s3 =	sadd.s32 $0x88, s3;
	s6 =	simm.s32 @!p1 $0x1082;
	[sflag:s4] =	ssyncset.s32 $0xFFFFF086  }
0x25: {  	[simem:s6], [sflag:s4] =	dma.local [hbm:s3], $0xF7A  }
0x26: {  	[smem:$0x3F9B] =	sst s1;
	(tag) =	ssettag s2;
	_ =	strace s9  }
0x27: {  	s1 =	sld [smem:$0x3FAB]  }
0x28: {  	s2 =	sld [smem:$0x3FAC]  }
0x29: {  	s4 =	sld [smem:$0x3FAE]  }
0x2a: {  	p0 =	seq.s32 s5, $0x0;
	s5 =	sld [smem:$0x3FAF]  }
0x2b: {  	s6 =	sld [smem:$0x3FB0]  }
0x2c: {  	s7 =	sld [smem:$0x3FB1]  }
0x2d: {  	s3 =	simm.s32 $0x108;
	s8 =	sld [smem:$0x3FB2]  }
0x2e: {  	s3 =	simm.s32 @!p0 $0x1082;
	s9 =	sld [smem:$0x3FB3]  }
0x2f: {  	lr =	sadd.s32 s0, s3;
	s0 =	sld [smem:$0x3FAA]  }
0x30: {  	s3 =	sld [smem:$0x3FAD]  }
0x31: {  	[smem:$0x3FB6] =	sst s10  }
0x32: {  	s10 =	sld [smem:$0x3FB4];
	_ =	sdelay $0x3  }
0x33: {  	p0 =	seq.s32 s10, $0x1;
	s10 =	sld [smem:$0x3FB6];
	_ =	sdelay $0x3  }
0x34: {  	[smem:$0x3FB6] =	sst s10  }
0x35: {  	s10 =	sld [smem:$0x3FB5];
	_ =	sdelay $0x3  }
0x36: {  	p1 =	seq.s32 s10, $0x1;
	s10 =	sld [smem:$0x3FB6];
	_ =	sdelay $0x3  }
0x37: {  	[smem:$0x3FB6] =	sst s10  }
0x38: {  	s10 =	sld [smem:$0x3FB7]  }
0x39: {  	_ = 	snop;
	(pc) =	sbr.ind lr, $3  }
0x3a: {  	_ = 	snop  }
0x3b: {  	_ = 	snop  }
0x3c: {  	p2 =	seq.s32 s10, $0x1;
	s10 =	sld [smem:$0x3FB6]  }
0x3d: {  	_ =	shalt  }
0x3e: {  	_ =	shalt  }
0x3f: {  	_ =	shalt  }
0x40: {  	_ =	shalt  }
0x41: {  	_ =	shalt  }
0x42: {  	_ =	shalt  }
0x43: {  	_ =	shalt  }
0x44: {  	_ =	shalt  }
0x45: {  	_ =	shalt  }
0x46: {  	_ =	shalt  }
0x47: {  	_ =	shalt  }
0x48: {  	_ =	shalt  }
0x49: {  	_ =	shalt  }
0x4a: {  	_ =	shalt  }
0x4b: {  	_ =	shalt  }
0x4c: {  	_ =	shalt  }
0x4d: {  	_ =	shalt  }
0x4e: {  	_ =	shalt  }
0x4f: {  	_ =	shalt  }
0x50: {  	_ =	shalt  }
0x51: {  	_ =	shalt  }
0x52: {  	_ =	shalt  }
0x53: {  	_ =	shalt  }
0x54: {  	_ =	shalt  }
0x55: {  	_ =	shalt  }
0x56: {  	_ =	shalt  }
0x57: {  	_ =	shalt  }
0x58: {  	_ =	shalt  }
0x59: {  	_ =	shalt  }
0x5a: {  	_ =	shalt  }
0x5b: {  	_ =	shalt  }
0x5c: {  	_ =	shalt  }
0x5d: {  	_ =	shalt  }
0x5e: {  	_ =	shalt  }
0x5f: {  	_ =	shalt  }
0x60: {  	_ =	shalt  }
0x61: {  	_ =	shalt  }
0x62: {  	_ =	shalt  }
0x63: {  	_ =	shalt  }
0x64: {  	_ =	shalt  }
0x65: {  	_ =	shalt  }
0x66: {  	_ =	shalt  }
0x67: {  	_ =	shalt  }
0x68: {  	_ =	shalt  }
0x69: {  	_ =	shalt  }
0x6a: {  	_ =	shalt  }
0x6b: {  	_ =	shalt  }
0x6c: {  	_ =	shalt  }
0x6d: {  	_ =	shalt  }
0x6e: {  	_ =	shalt  }
0x6f: {  	_ =	shalt  }
0x70: {  	_ =	shalt  }
0x71: {  	_ =	shalt  }
0x72: {  	_ =	shalt  }
0x73: {  	_ =	shalt  }
0x74: {  	_ =	shalt  }
0x75: {  	_ =	shalt  }
0x76: {  	_ =	shalt  }
0x77: {  	_ =	shalt  }
0x78: {  	_ =	shalt  }
0x79: {  	_ =	shalt  }
0x7a: {  	_ =	shalt  }
0x7b: {  	_ =	shalt  }
0x7c: {  	_ =	shalt  }
0x7d: {  	_ =	shalt  }
0x7e: {  	_ =	shalt  }
0x7f: {  	_ =	shalt  }
0x80: {  	_ =	shalt  }
0x81: {  	_ =	shalt  }
0x82: {  	_ =	shalt  }
0x83: {  	_ =	shalt  }
0x84: {  	_ =	shalt  }
0x85: {  	_ =	shalt  }
0x86: {  	_ =	shalt  }
0x87: {  	_ =	shalt  }
.Lfunc_end0:
.L_simem_size_0:
called_computation.1_lowered:
.L_overlay_start_0:
0x88: {  	s2 =	sld [smem:$0x3FD9]  }
0x89: {  	s3 =	sld [smem:$0x3FFE];
	_ =	sdelay $0x1  }
0x8a: {  	s1 =	srdreg.scid  }
0x8b: {  	s0 =	sand.u32 $0x1, s1  }
0x8c: {  	s17 =	sshll.u32 s0, $0xA;
	s2 =	sadd.s32 s3, s2  }
0x8d: {  	s2 =	sadd.s32 s2, s17  }
0x8e: {  	[smem:$0x3FC2] =	sst s2  }
0x8f: {  	_ = 	snop  }
0x90: {  	s2 =	sld [smem:$0x3FD0];
	(tm) =	ssettm $0x1  }
0x91: {  	s18 =	sld [smem:$0x3FFB];
	_ =	sdelay $0x3  }
0x92: {  	_ =	strace s18  }
0x93: {  	s3 =	sld [smem:$0x3FFC];
	_ =	sdelay $0x3  }
0x94: {  	_ =	strace s3  }
0x95: {  	s3 =	sld [smem:$0x3FFD];
	_ =	sdelay $0x3  }
0x96: {  	_ =	strace s3  }
0x97: {  	_ =	strace $0x8FFFFFFF  }
0x98: {  	s19 =	sld [smem:$0x3FDB];
	_ =	sdelay $0x1  }
0x99: {  	s4 =	simm.s32 $_scs_section_size  }
0x9a: {  	s5 =	simm.s32 $_size__tile_overlayer_lowered;
	s6 =	simm.s32 $_tile_overlayer_lowered  }
0x9b: {  	s22 =	simm.s32 $0x1BFF;
	s21 =	sshll.u32 s6, $0x1;
	s3 =	sadd.s32 s4, s19  }
0x9c: {  	s7 =	simm.s32 $0x0;
	s20 =	sshll.u32 s5, $0x1;
	s5 =	sadd.s32 s21, s3  }
0x9d: {  	[timem:s7], [sflag:s22] =	dma.local [hbm:s5], s20  }
0x9e: {  	_ =	swait.ge [sflag:s22], s20  }
0x9f: {  	s4 =	ssub.s32 $0x0, s20;
	[sflag:s22] =	ssyncset.done $0x0  }
0xa0: {  	[sflag:s22] =	ssyncadd.s32 s4;
	_ =	sdelay $0x1  }
0xa1: {  	s23 =	simm.s32 $0x1B8B  }
0xa2: {  	_ =	swait.ge [sflag:s23], $0x1  }
0xa3: {  	[sflag:s23] =	ssyncset.done $0x0  }
0xa4: {  	s25 =	simm.s32 $0x1B8E;
	s24 =	sld [smem:$0x3FFE];
	[sflag:s23] =	ssyncadd.s32 $0xFFFFFFFF  }
0xa5: {  	s26 =	simm.s32 $execute0_lowered;
	[smem:$0x3FD2] =	sst s25  }
0xa6: {  	s5 =	sshll.u32 s26, $0x1;
	_ =	strace $0x80000049;
	[dreg:$0x1] =	wrdreg $0xFFFFFFFF  }
0xa7: {  	s28 =	simm.s32 $_size_execute0_lowered;
	s3 =	sadd.s32 s3, s5;
	[dreg:$0x0] =	wrdreg $0x0  }
0xa8: {  	s5 =	sshll.u32 s28, $0x1;
	[dreg:$0x2] =	wrdreg s3  }
0xa9: {  	[dreg:$0x3] =	wrdreg s5  }
0xaa: {  	[dreg:$0x4] =	wrdreg $0xC0  }
0xab: {  	_ =	task [dreg:s7], $0x5FFFF  }
0xac: {  	[dreg:$0x1] =	wrdreg $0xFFFFFFFF  }
0xad: {  	[dreg:$0x0] =	wrdreg $0x60  }
0xae: {  	[dreg:$0x2] =	wrdreg s24  }
0xaf: {  	[dreg:$0x3] =	wrdreg s2  }
0xb0: {  	[dreg:$0x4] =	wrdreg $0x119400  }
0xb1: {  	[dreg:$0x5] =	wrdreg $0x9  }
0xb2: {  	_ =	task.clear_ibuf [dreg:s7], $0x6FFFF;
	_ =	strace $0x90000049  }
0xb3: {  	s29 =	simm.s32 $0x9;
	_ =	strace $0x8000004B  }
0xb4: {  	_ =	swait.ge [sflag:s29], $0x1  }
0xb5: {  	[sflag:s29] =	ssyncadd.s32 $0xFFFFFFFF  }
0xb6: {  	_ =	strace $0x9000004B  }
0xb7: {  	_ =	sfence  }
0xb8: {  	s30 =	sld [smem:$0x0];
	_ =	sdelay $0x2  }
0xb9: {  	s31 =	sshll.u32 s1, $0xD;
	s1 =	sshrl.u32 s1, $0x2  }
0xba: {  	s3 =	sand.u32 $0x4000, s31;
	s1 =	sadd.s32 s1, s30  }
0xbb: {  	s0 =	sor.u32 s3, s0;
	s1 =	sshll.u32 s1, $0x11  }
0xbc: {  	s0 =	sor.u32 s1, s0  }
0xbd: {  	s0 =	sadd.s32 $0x8F2B, s0  }
0xbe: {  	[sflag:s0] =	ssyncadd.remote.s32 $0x1  }
0xbf: {  	_ =	sfence.sel $0xFFFF  }
0xc0: {  	[dreg:$0x0] =	wrdreg $0xFFFFFFFF;
	(pc) =	sbr.abs _section_cstart, $3  }
0xc1: {  	[dreg:$0x1] =	wrdreg $0xFFFFFFFF  }
0xc2: {  	_ =	task.clear_ibuf [dreg:s7], $0x2FFFF;
	_ =	strace $0x9FFFFFFF  }
0xc3: {  	(tm) =	ssettm $0x7FFFFFFF  }
tec
execute0_lowered:
.L_overlay_start_1:
0x0: {  	(tag) =	ssettag $0x1  }
0x1: {  	s7 =	rddreg [dreg:$0x0]  }
0x2: {  	s1 =	rddreg [dreg:$0x1]  }
0x3: {  	s2 =	rddreg [dreg:$0x2]  }
0x4: {  	s0 =	rddreg [dreg:$0x3];
	s3 =	simm.s32 $0x0;
	s4 =	srdreg.scid  }
0x5: {  	s19 =	simm.s32 $0x1F40;
	s20 =	simm.s32 $0x9C40;
	s21 =	simm.s32 $0xFA0  }
0x6: {  	s22 =	simm.s32 $0x4;
	s23 =	simm.s32 $0x1;
	[smem:$0x7FF] =	sst s3  }
0x7: {  	s5 =	sadd.s32 $0x188C00, s7;
	s8 =	sand.u32 $0x1, s4;
	s4 =	stileid.u32  }
0x8: {  	s15 =	sadd.s32 $0x2200, s7;
	s6 =	sadd.s32 $0x189C00, s7;
	s12 =	smul.u32 $0xC340, s4  }
0x9: {  	s13 =	sadd.s32 $0x18AC00, s7;
	s18 =	sadd.s32 $0xC3400, s2;
	s26 =	smul.u32 $0xC3500, s8  }
0xa: {  	_ =	strace $0x8000004A;
	s9 =	ssub.s32 $0x2, s8;
	s14 =	smul.u32 $0x30D400, s8  }
0xb: {  	s10 =	sshll.u32 s8, $0x4;
	s25 =	sshll.u32 s4, $0x6;
	s30 =	smul.u32 $0x30D40, s4  }
0xc: {  	p0 =	sne.s32 s4, $0xF;
	s11 =	sshrl.u32 s9, $0x1;
	s10 =	sor.u32 s4, s10  }
0xd: {  	s7 =	sor.u32 $0x1C03, s25;
	s18 =	sshrl.u32 @!p0 s18, $0x3;
	s25 =	simm.s32 $0x0  }
0xe: {  	s11 =	ssub.s32 s9, s11;
	s24 =	smul.u32 $0x30D40, s10;
	s16 =	sadd.s32 s12, s2  }
0xf: {  	s29 =	sadd.s32 s12, s26;
	s10 =	sshrl.u32 s26, $0x3;
	s31 =	sadd.s32 s30, s14  }
0x10: {  	s9 =	sshrl.u32 s29, $0x3;
	s10 =	sadd.s32 s13, s10;
	s11 =	smax.u32 s11, $0x1  }
0x11: {  	s14 =	sadd.s32 $0x1F40, s31;
	s17 =	sadd.s32 $0x61B7A0, s31;
	s16 =	sshrl.u32 s16, $0x3  }
0x12: {  	s28 =	sshrl.u32 s24, $0x3;
	s9 =	sadd.s32 s13, s9;
	s10 =	sadd.s32 $0x18680, s10  }
0x13: {  	s14 =	sshrl.u32 s14, $0x3;
	s17 =	sshrl.u32 s17, $0x3;
	s24 =	simm.s32 $0x2  }
0x14: {  	s8 =	sadd.s32 s15, s28;
	s14 =	sadd.s32 s14, s15;
	s15 =	sadd.s32 s17, s15  }
0x15: {  	s17 =	simm.s32 $0x3;
	s12 =	sadd.s32 $0xC3500, s8;
	s13 =	sadd.s32 $0x1F4, s8  }
.LBB2_1:
0x16: {  	[spmem:s16], [sflag:s7] =	dma.local [hbm:s1], $0x1868  }
0x17: {  	_ =	swait.ge [sflag:s17], $0x1868  }
0x18: {  	[sflag:s17] =	ssyncset.done $0x0  }
0x19: {  	s26 =	simm.s32 @!p0 $0x3;
	[sflag:s17] =	ssyncadd.s32 $0xFFFFE798  }
0x1a: {  	[spmem:s18], [sflag:s7] =	dma.local @!p0 [hbm:s1], $0x20  }
0x1b: {  	_ =	swait.ge @!p0 [sflag:s26], $0x20  }
0x1c: {  	[sflag:s26] =	ssyncset.done @!p0 $0x0  }
0x1d: {  	[sflag:s26] =	ssyncadd.s32 @!p0 $0xFFFFFFE0  }
0x1e: {  	[tilespmem:s19], [sflag:$0x3] =	stream.linear.gather [hbm4b:s5+s3], $0x7D00, $0x38;
	[tilespmem:$0x1DC90] =	vst v63  }
0x1f: {  	_ =	swait.ge [sflag:s17], $0x7D00  }
0x20: {  	[sflag:s17] =	ssyncset.done $0x0  }
0x21: {  	[sflag:s17] =	ssyncadd.s32 $0xFFFF8300  }
0x22: {  	[tilespmem:s20], [sflag:$0x3] =	stream.linear.gather [hbm4b:s6+s3], $0x7D00, $0x38;
	[tilespmem:$0x1DC90] =	vst v63  }
0x23: {  	_ =	swait.ge [sflag:s17], $0x7D00  }
0x24: {  	[sflag:s17] =	ssyncset.done $0x0  }
0x25: {  	[sflag:s17] =	ssyncadd.s32 $0xFFFF8300  }
0x26: {  	[bflag:$0x0] =	sbarrier.arrive $0xFFFF  }
0x27: {  	[tilespmem:s3], [sflag:$0x3] =	stream.linear.gather [hbm4b:s8+s3], $0xFA0, $0x38;
	[tilespmem:$0x1DC90] =	vst v63  }
0x28: {  	_ =	swait.ge [sflag:s17], $0xFA0  }
0x29: {  	[sflag:s17] =	ssyncset.done $0x0  }
0x2a: {  	[sflag:s17] =	ssyncadd.s32 $0xFFFFF060  }
0x2b: {  	[spmem:s2] =	stream.indirect.scatter.add.f32 [tilespmem:s19], [sflag:$0x1], $0x8, s3, s21, $0xb8;
	[tilespmem:$0x1DC90] =	vst v63  }
0x2c: {  	_ = 	snop  }
0x2d: {  	[tilespmem:s21], [sflag:$0x4] =	stream.linear.gather [hbm4b:s12+s3], $0xFA0, $0x38;
	[tilespmem:$0x1DC90] =	vst v63  }
0x2e: {  	_ =	swait.ge [sflag:s22], $0xFA0  }
0x2f: {  	[sflag:s22] =	ssyncset.done $0x0  }
0x30: {  	[sflag:s22] =	ssyncadd.s32 $0xFFFFF060  }
0x31: {  	[spmem:s2] =	stream.indirect.scatter.add.f32 [tilespmem:s20], [sflag:$0x2], $0x8, s21, s21, $0xb8;
	[tilespmem:$0x1DC90] =	vst v63  }
0x32: {  	_ =	swait.ge [sflag:s23], $0x7D00  }
0x33: {  	[sflag:s23] =	ssyncset.done $0x0  }
0x34: {  	[sflag:s23] =	ssyncadd.s32 $0xFFFF8300  }
0x35: {  	[tilespmem:s3], [sflag:$0x3] =	stream.linear.gather [hbm4b:s13+s3], $0xFA0, $0x38;
	[tilespmem:$0x1DC90] =	vst v63  }
0x36: {  	_ =	swait.ge [sflag:s17], $0xFA0  }
0x37: {  	[sflag:s17] =	ssyncset.done $0x0  }
0x38: {  	s26 =	simm.s32 $0x0;
	[sflag:s17] =	ssyncadd.s32 $0xFFFFF060  }
.LBB2_2:
0x39: {  	[spmem:s2] =	stream.indirect.scatter.add.f32 [tilespmem:s19], [sflag:$0x1], $0x8, s3, s21, $0xb8;
	[tilespmem:$0x1DC90] =	vst v63  }
0x3a: {  	_ =	swait.ge [sflag:s24], $0x7D00  }
0x3b: {  	[sflag:s24] =	ssyncset.done $0x0  }
0x3c: {  	s28 =	sadd.s32 s26, s15;
	[sflag:s24] =	ssyncadd.s32 $0xFFFF8300  }
0x3d: {  	[tilespmem:s21], [sflag:$0x4] =	stream.linear.gather [hbm4b:s28+s3], $0xFA0, $0x38;
	[tilespmem:$0x1DC90] =	vst v63  }
0x3e: {  	_ =	swait.ge [sflag:s22], $0xFA0  }
0x3f: {  	p1 =	seq.s32 s26, $0x5DC0;
	[sflag:s22] =	ssyncset.done $0x0  }
0x40: {  	s28 =	simm.s32 @!p1 $0x1;
	[sflag:s22] =	ssyncadd.s32 $0xFFFFF060  }
0x41: {  	[spmem:s2] =	stream.indirect.scatter.add.f32 [tilespmem:s20], [sflag:$0x2], $0x8, s21, s21, $0xb8;
	[tilespmem:$0x1DC90] =	vst v63  }
0x42: {  	_ =	swait.ge @!p1 [sflag:s28], $0x7D00  }
0x43: {  	s29 =	simm.s32 @!p1 $0x0;
	[sflag:s28] =	ssyncset.done @!p1 $0x0  }
0x44: {  	[sflag:s28] =	ssyncadd.s32 @!p1 $0xFFFF8300;
	s28 =	sadd.s32 @!p1 s26, s14;
	s26 =	sadd.s32 @!p1 $0x1F4, s26  }
0x45: {  	[tilespmem:s29], [sflag:$0x3] =	stream.linear.gather @!p1 [hbm4b:s28+s29], $0xFA0, $0x38;
	[tilespmem:$0x1DC90] =	vst v63  }
0x46: {  	p2 =	sne.s32 @!p1 s26, $0x5FB4  }
0x47: {  	p2 =	por p1, !p2  }
.Ltmp0:
0x48: {  	_ = 	snop;
	(pc) =	sbr.rel @!p2 .LBB2_2-.Ltmp0, $4  }
0x49: {  	s28 =	simm.s32 @!p1 $0x3  }
0x4a: {  	_ =	swait.ge @!p1 [sflag:s28], $0xFA0  }
0x4b: {  	[sflag:s28] =	ssyncset.done @!p1 $0x0  }
0x4c: {  	[sflag:s28] =	ssyncadd.s32 @!p1 $0xFFFFF060  }
0x4d: {  	_ =	swait.ge [sflag:s23], $0x7D00  }
0x4e: {  	[sflag:s23] =	ssyncset.done $0x0  }
0x4f: {  	[sflag:s23] =	ssyncadd.s32 $0xFFFF8300  }
0x50: {  	_ =	swait.ge [sflag:s24], $0x7D00  }
0x51: {  	[sflag:s24] =	ssyncset.done $0x0  }
0x52: {  	[sflag:s24] =	ssyncadd.s32 $0xFFFF8300  }
0x53: {  	[bflag:$0x0] =	sbarrier.arrive $0xFFFF  }
0x54: {  	[hbm:s9], [sflag:s7] =	dma.local [spmem:s16], $0x1868  }
0x55: {  	s25 =	sadd.s32 $0x1, s25;
	_ =	swait.ge [sflag:s17], $0x1868  }
0x56: {  	p1 =	sne.s32 s25, s11;
	[sflag:s17] =	ssyncset.done $0x0  }
.Ltmp1:
0x57: {  	s26 =	simm.s32 @!p0 $0x3;
	[sflag:s17] =	ssyncadd.s32 $0xFFFFE798;
	(pc) =	sbr.rel @p1 .LBB2_1-.Ltmp1, $4  }
0x58: {  	[hbm:s10], [sflag:s7] =	dma.local @!p0 [spmem:s18], $0x20  }
0x59: {  	_ =	swait.ge @!p0 [sflag:s26], $0x20  }
0x5a: {  	[sflag:s26] =	ssyncset.done @!p0 $0x0  }
0x5b: {  	[sflag:s26] =	ssyncadd.s32 @!p0 $0xFFFFFFE0  }
0x5c: {  	_ =	sfence.sel $0x180000  }
0x5d: {  	[bflag:$0x0] =	sbarrier.arrive $0xFFFF  }
0x5e: {  	p0 =	sne.s32 s4, $0x0;
	_ =	strace $0x9000004A  }
0x5f: {  	s0 =	sadd.s32 @!p0 $0x100000, s0;
	[bflag:$0x2] =	sbarrier.arrive $0xFFFF  }
0x60: {  	[sflag:s0] =	ssyncadd.tile.s32 @!p0 $0x1;
	_ =	shalt  }
.Lfunc_end2:
_tile_overlayer_lowered:
.L_overlay_start_2:
0x61: {  	(tag) =	ssettag $0x2  }
0x62: {  	s0 =	rddreg [dreg:$0x0];
	s2 =	stileid.u32  }
0x63: {  	s1 =	rddreg [dreg:$0x1];
	p0 =	sne.s32 s2, $0x0  }
0x64: {  	s3 =	rddreg [dreg:$0x2];
	[bflag:$0x3] =	sbarrier.arrive $0xFFFF;
	s2 =	simm.s32 @!p0 $0x1C03  }
0x65: {  	[timem:s3], [sflag:s2] =	dma.local @!p0 [hbm:s0], s1  }
0x66: {  	s0 =	simm.s32 @!p0 $0x3  }
0x67: {  	_ =	swait.ge @!p0 [sflag:s0], s1  }
0x68: {  	s1 =	ssub.s32 @!p0 $0x0, s1;
	[sflag:s0] =	ssyncset.done @!p0 $0x0  }
0x69: {  	[sflag:s0] =	ssyncadd.s32 @!p0 s1  }
0x6a: {  	[bflag:$0x3] =	sbarrier.arrive $0xFFFF  }
0x6b: {  	_ =	shalt  }

// kernel: sparse-core-data-format-call.cloned.1.call-start
scs
called_computation_lowered:
.L_overlay_start_0:
0x0: {  	s2 =	sld [smem:$0x3FD9]  }
0x1: {  	s3 =	sld [smem:$0x3FFE];
	_ =	sdelay $0x1  }
0x2: {  	s1 =	srdreg.scid  }
0x3: {  	s0 =	sand.u32 $0x1, s1  }
0x4: {  	s18 =	sshll.u32 s0, $0xA;
	s2 =	sadd.s32 s3, s2  }
0x5: {  	s2 =	sadd.s32 s2, s18  }
0x6: {  	[smem:$0x3FC2] =	sst s2  }
0x7: {  	_ = 	snop  }
0x8: {  	s2 =	sld [smem:$0x3FC8];
	(tm) =	ssettm $0x1  }
0x9: {  	s19 =	sld [smem:$0x3FFB];
	_ =	sdelay $0x3  }
0xa: {  	_ =	strace s19  }
0xb: {  	s3 =	sld [smem:$0x3FFC];
	_ =	sdelay $0x3  }
0xc: {  	_ =	strace s3  }
0xd: {  	s3 =	sld [smem:$0x3FFD];
	_ =	sdelay $0x3  }
0xe: {  	_ =	strace s3  }
0xf: {  	_ =	strace $0x8FFFFFFF  }
0x10: {  	s20 =	sld [smem:$0x3FDB];
	_ =	sdelay $0x1  }
0x11: {  	s4 =	simm.s32 $_scs_section_size  }
0x12: {  	s5 =	simm.s32 $_size__tile_overlayer_lowered;
	s6 =	simm.s32 $_tile_overlayer_lowered  }
0x13: {  	s23 =	simm.s32 $0x1BFF;
	s22 =	sshll.u32 s6, $0x1;
	s3 =	sadd.s32 s4, s20  }
0x14: {  	s7 =	simm.s32 $0x0;
	s21 =	sshll.u32 s5, $0x1;
	s5 =	sadd.s32 s22, s3  }
0x15: {  	[timem:s7], [sflag:s23] =	dma.local [hbm:s5], s21  }
0x16: {  	_ =	swait.ge [sflag:s23], s21  }
0x17: {  	s4 =	ssub.s32 $0x0, s21;
	[sflag:s23] =	ssyncset.done $0x0  }
0x18: {  	[sflag:s23] =	ssyncadd.s32 s4;
	_ =	sdelay $0x1  }
0x19: {  	s24 =	simm.s32 $0x1B8B  }
0x1a: {  	_ =	swait.ge [sflag:s24], $0x1  }
0x1b: {  	[sflag:s24] =	ssyncset.done $0x0  }
0x1c: {  	s26 =	simm.s32 $0x1B8E;
	s25 =	sld [smem:$0x3FFE];
	[sflag:s24] =	ssyncadd.s32 $0xFFFFFFFF  }
0x1d: {  	s27 =	simm.s32 $execute0_lowered;
	[smem:$0x3FD2] =	sst s26  }
0x1e: {  	s5 =	sshll.u32 s27, $0x1;
	_ =	strace $0x80000046;
	[dreg:$0x1] =	wrdreg $0xFFFFFFFF  }
0x1f: {  	s28 =	simm.s32 $_size_execute0_lowered;
	s3 =	sadd.s32 s3, s5;
	[dreg:$0x0] =	wrdreg $0x0  }
0x20: {  	s5 =	sshll.u32 s28, $0x1;
	[dreg:$0x2] =	wrdreg s3  }
0x21: {  	[dreg:$0x3] =	wrdreg s5  }
0x22: {  	[dreg:$0x4] =	wrdreg $0xC0  }
0x23: {  	_ =	task [dreg:s7], $0x5FFFF  }
0x24: {  	[dreg:$0x1] =	wrdreg $0xFFFFFFFF  }
0x25: {  	[dreg:$0x0] =	wrdreg $0x60  }
0x26: {  	[dreg:$0x2] =	wrdreg s2  }
0x27: {  	[dreg:$0x3] =	wrdreg s25  }
0x28: {  	[dreg:$0x4] =	wrdreg $0x9  }
0x29: {  	_ =	task.clear_ibuf [dreg:s7], $0x5FFFF;
	_ =	strace $0x90000046  }
0x2a: {  	s29 =	simm.s32 $0x9;
	_ =	strace $0x80000048  }
0x2b: {  	_ =	swait.ge [sflag:s29], $0x1  }
0x2c: {  	[sflag:s29] =	ssyncadd.s32 $0xFFFFFFFF  }
0x2d: {  	_ =	strace $0x90000048  }
0x2e: {  	_ =	sfence  }
0x2f: {  	s30 =	sld [smem:$0x0];
	_ =	sdelay $0x2  }
0x30: {  	s31 =	sshll.u32 s1, $0xD;
	s1 =	sshrl.u32 s1, $0x2  }
0x31: {  	s3 =	sand.u32 $0x4000, s31;
	s1 =	sadd.s32 s1, s30  }
0x32: {  	s0 =	sor.u32 s3, s0;
	s1 =	sshll.u32 s1, $0x11  }
0x33: {  	s0 =	sor.u32 s1, s0  }
0x34: {  	s0 =	sadd.s32 $0x8F2B, s0  }
0x35: {  	[sflag:s0] =	ssyncadd.remote.s32 $0x1  }
0x36: {  	_ =	sfence.sel $0xFFFF  }
0x37: {  	[dreg:$0x0] =	wrdreg $0xFFFFFFFF;
	(pc) =	sbr.abs _section_cstart, $3  }
0x38: {  	[dreg:$0x1] =	wrdreg $0xFFFFFFFF  }
0x39: {  	_ =	task.clear_ibuf [dreg:s7], $0x2FFFF;
	_ =	strace $0x9FFFFFFF  }
0x3a: {  	(tm) =	ssettm $0x7FFFFFFF  }
0x3b: {  	_ =	shalt  }
tec
execute0_lowered:
.L_overlay_start_1:
0x0: {  	(tag) =	ssettag $0x1  }
0x1: {  	s0 =	stileid.u32;
	s7 =	rddreg [dreg:$0x0]  }
0x2: {  	s1 =	srdreg.scid;
	s4 =	rddreg [dreg:$0x1]  }
0x3: {  	s30 =	simm.s32 $0x2;
	s10 =	simm.s32 $0x0;
	s14 =	simm.s32 $0x0  }
0x4: {  	s15 =	simm.s32 $0x0;
	s11 =	simm.s32 $0x0;
	s13 =	simm.s32 $0x0  }
0x5: {  	s2 =	sand.u32 $0x1, s1;
	s3 =	sshll.u32 s0, $0x7;
	s1 =	rddreg [dreg:$0x2]  }
0x6: {  	_ =	strace $0x80000047;
	s5 =	ssub.s32 $0xC300, s3;
	s6 =	ssub.s32 $0x2, s2  }
.Ltmp0:
0x7: {  	s5 =	sshrl.u32 s5, $0xB;
	s8 =	sshrl.u32 s6, $0x1;
	(pc) =	sbr.rel .LBB1_1-.Ltmp0, $4  }
0x8: {  	s4 =	sadd.s32 $0x2200, s4;
	s9 =	sadd.s32 $0x1, s5;
	s6 =	ssub.s32 s6, s8  }
0x9: {  	s31 =	sshll.u32 s2, $0x4;
	s5 =	simm.s32 $0x1;
	s6 =	smul.u32 s9, s6  }
0xa: {  	s12 =	smov.u32 s3;
	s7 =	sadd.s32 s7, s31;
	[sflag:s5] =	ssyncpa.u1 $0x0  }
0xb: {  	s9 =	simm.s32 $0x0;
	[sflag:s30] =	ssyncpa.u1 $0x0;
	s8 =	sadd.s32 $0x1, s6  }
.LBB1_4:
0xc: {  	s21 =	simm.s32 $0x0  }
.LBB1_8:
0xd: {  	_ =	sdelay $0x3  }
0xe: {  	v6 =	vld [tilespmem:s18+$0xFFFFFFC0];
	[tilespmem:v0+s20+$0x30 ss:$0x1] =	vst.idx.msk @p0 $0xffff, v2  }
0xf: {  	v58 =	vld [tilespmem:s18+$0xFFFFFFD0];
	[tilespmem:v0+s20+$0x40 ss:$0x1] =	vst.idx.msk @p0 $0xffff, v3;
	s21 =	sadd.s32 @p0 $0x80, s21  }
0x10: {  	v59 =	vld [tilespmem:s18+$0xFFFFFFE0];
	[tilespmem:v0+s20+$0x50 ss:$0x1] =	vst.idx.msk @p0 $0xffff, v5;
	s19 =	smov.u32 @p0 s21  }
0x11: {  	v60 =	vld [tilespmem:s18+$0xFFFFFFF0];
	[tilespmem:v0+s20+$0x60 ss:$0x1] =	vst.idx.msk @p0 $0xffff, v4;
	s19 =	sand.u32 $0x3F80, s19  }
0x12: {  	v61 =	vld [tilespmem:s18+$0x0];
	[tilespmem:v0+s19+$0x70 ss:$0x1] =	vst.idx.msk $0xffff, v1  }
0x13: {  	v62 =	vld [tilespmem:s18+$0x10];
	[tilespmem:v0+s19+$0x0 ss:$0x1] =	vst.idx.msk $0xffff, v6  }
0x14: {  	v63 =	vld [tilespmem:s18+$0x20];
	[tilespmem:v0+s19+$0x10 ss:$0x1] =	vst.idx.msk $0xffff, v58  }
0x15: {  	[tilespmem:v0+s19+$0x20 ss:$0x1] =	vst.idx.msk $0xffff, v59  }
0x16: {  	[tilespmem:v0+s19+$0x30 ss:$0x1] =	vst.idx.msk $0xffff, v60  }
0x17: {  	[tilespmem:v0+s19+$0x40 ss:$0x1] =	vst.idx.msk $0xffff, v61  }
0x18: {  	[tilespmem:v0+s19+$0x50 ss:$0x1] =	vst.idx.msk $0xffff, v62  }
0x19: {  	[tilespmem:v0+s19+$0x60 ss:$0x1] =	vst.idx.msk $0xffff, v63  }
.LBB1_9:
0x1a: {  	s18 =	sand.u32 $0x1FFFFFF, s11  }
0x1b: {  	s19 =	smulhi.u32 $0x14F8B59, s18;
	_ =	sdelay $0x1  }
0x1c: {  	s19 =	sshrl.u32 s19, $0x8  }
0x1d: {  	s19 =	smul.u32 $0xC350, s19  }
0x1e: {  	s15 =	smul.u32 $0xC3500, s15  }
0x1f: {  	s18 =	ssub.s32 s18, s19  }
0x20: {  	s15 =	sadd.s32 s4, s15;
	s18 =	sshll.u32 s18, $0x4  }
0x21: {  	s15 =	sadd.s32 s18, s15  }
0x22: {  	[hbm4b:s15+s9] =	stream.linear.scatter [tilespmem:s17], [sflag:$0x2], s16, $0x38;
	[tilespmem:$0x10000] =	vst v63  }
.LBB1_10:
0x23: {  	p0 =	slt.u32 s13, $0x2  }
0x24: {  	p1 =	sgt.s32 @!p0 s14, $0xC2D0  }
0x25: {  	s15 =	smov.u32 s14;
	s16 =	sshra.s32 @!p0 s14, $0x1F;
	p1 =	por !p1, p0  }
0x26: {  	s14 =	sand.u32 @!p0 s16, s14;
	s15 =	simm.s32 @p1 $0xC2D0  }
0x27: {  	s14 =	ssub.s32 @!p0 s15, s14  }
0x28: {  	s14 =	sadd.s32 @!p0 $0xFFFF3D30, s14  }
0x29: {  	s15 =	sshll.u32 @!p0 s14, $0x7  }
0x2a: {  	p1 =	sgt.s32 @!p0 s14, $0x7F;
	s14 =	ssub.s32 @!p0 $0x4000, s15  }
0x2b: {  	s16 =	sadd.s32 $0x800, s12;
	p1 =	por !p1, p0;
	s14 =	sand.u32 @!p0 $0x3FFFFF80, s14  }
0x2c: {  	s14 =	simm.s32 @!p1 $0x0;
	p1 =	sgt.s32 s16, $0xC34F  }
0x2d: {  	s16 =	smov.u32 @p1 s3;
	p1 =	sne.s32 s13, s8  }
.Ltmp1:
0x2e: {  	_ = 	snop;
	(pc) =	sbr.rel @!p1 .LBB1_11-.Ltmp1, $4  }
0x2f: {  	s10 =	sadd.s32 $0x4000, s10;
	s15 =	simm.s32 @!p0 $0x2  }
0x30: {  	_ =	swait.ge @!p0 [sflag:s15], s14;
	s17 =	ssub.s32 @!p0 $0x0, s14;
	s14 =	smov.u32 s11  }
0x31: {  	s13 =	sadd.s32 $0x1, s13;
	s11 =	smov.u32 s12;
	[sflag:s15] =	ssyncset.done @!p0 $0x0  }
0x32: {  	s12 =	smov.u32 s16;
	[sflag:s15] =	ssyncadd.s32 @!p0 s17;
	s15 =	smov.u32 s2  }
.LBB1_1:
0x33: {  	p0 =	sge.u32 s13, s6  }
0x34: {  	p1 =	sgt.s32 @!p0 s12, $0xC2D0  }
0x35: {  	s16 =	smov.u32 s12;
	s17 =	sshra.s32 @!p0 s12, $0x1F;
	p1 =	por !p1, p0  }
0x36: {  	s17 =	sand.u32 @!p0 s17, s12;
	s16 =	simm.s32 @p1 $0xC2D0  }
0x37: {  	s16 =	ssub.s32 @!p0 s16, s17  }
0x38: {  	s31 =	sadd.s32 $0xFFFFFFFF, s13;
	s18 =	sxor.u32 @!p0 $0xFFFFFFFF, s13;
	s16 =	sadd.s32 @!p0 $0xFFFF3D30, s16  }
0x39: {  	s19 =	simm.s32 @!p0 $0x80;
	s20 =	simm.s32 @!p0 $0x100;
	s17 =	sshll.u32 @!p0 s16, $0x7  }
0x3a: {  	p1 =	sgt.s32 @!p0 s16, $0x7F;
	s16 =	ssub.s32 @!p0 $0x4000, s17;
	s17 =	sshll.u32 @!p0 s18, $0xE  }
0x3b: {  	p1 =	por !p1, p0;
	s18 =	sshll.u32 @!p0 s12, $0x5;
	s16 =	sand.u32 @!p0 $0x3FFFFF80, s16  }
0x3c: {  	s17 =	sand.u32 @!p0 $0x4000, s17;
	s18 =	sadd.s32 @!p0 s18, s7;
	s16 =	simm.s32 @!p1 $0x0  }
0x3d: {  	[tilespmem:s17], [sflag:$0x1] =	stream.strided.gather @!p0 [hbm4b:s18+s19], s16, s20, s19, $0x38;
	[tilespmem:$0x10000] =	vst v63  }
0x3e: {  	p0 =	sge.u32 s31, s6  }
.Ltmp2:
0x3f: {  	_ = 	snop;
	(pc) =	sbr.rel @p0 .LBB1_10-.Ltmp2, $1  }
0x40: {  	_ =	sdelay $0x3  }
0x41: {  	p0 =	sgt.s32 s11, $0xC2D0;
	s16 =	smov.u32 s11;
	s17 =	sshra.s32 s11, $0x1F  }
0x42: {  	s16 =	simm.s32 @!p0 $0xC2D0;
	s17 =	sand.u32 s17, s11  }
0x43: {  	s16 =	ssub.s32 s16, s17  }
0x44: {  	s16 =	sadd.s32 $0xFFFF3D30, s16  }
0x45: {  	s30 =	sshll.u32 s16, $0x7  }
0x46: {  	s17 =	ssub.s32 $0x4000, s30  }
0x47: {  	p0 =	sgt.s32 s16, $0x7F;
	s16 =	sand.u32 $0x3FFFFF80, s17;
	s17 =	sadd.s32 $0x80, s11  }
0x48: {  	s16 =	simm.s32 @p0 $0x0;
	p0 =	slt.s32 s17, $0xC350  }
0x49: {  	s17 =	simm.s32 @!p0 $0xC350  }
0x4a: {  	s20 =	ssub.s32 s17, s11  }
0x4b: {  	p0 =	slt.s32 s20, $0x1  }
.Ltmp3:
0x4c: {  	_ = 	snop;
	(pc) =	sbr.rel @p0 .LBB1_9-.Ltmp3, $4  }
0x4d: {  	_ = 	snop  }
0x4e: {  	s19 =	sshll.u32 s13, $0xE;
	_ =	swait.ge [sflag:s5], s16  }
0x4f: {  	s31 =	sand.u32 $0x4000, s19;
	s18 =	ssub.s32 $0x0, s16;
	[sflag:s5] =	ssyncset.done $0x0  }
0x50: {  	s17 =	sor.u32 $0x8000, s31;
	[sflag:s5] =	ssyncadd.s32 s18  }
0x51: {  	p1 =	sne.s32 s20, $0x1  }
.Ltmp4:
0x52: {  	v0 =	vmov s17;
	(pc) =	sbr.rel @!p1 .LBB1_4-.Ltmp4, $4  }
0x53: {  	_ = 	snop  }
0x54: {  	s18 =	sand.u32 $0x4000, s10  }
0x55: {  	s18 =	sor.u32 $0x40, s18  }
0x56: {  	s19 =	simm.s32 $0x0;
	s21 =	sadd.s32 $0xFFFFFFFF, s20;
	p0 =	por $0x0, $0x0;
	v1 =	vld [tilespmem:s18+$0x30]  }
0x57: {  	v4 =	vld [tilespmem:s18+$0xFFFFFFC0]  }
0x58: {  	v6 =	vld [tilespmem:s18+$0xFFFFFFD0]  }
0x59: {  	v7 =	vld [tilespmem:s18+$0xFFFFFFE0];
	p1 =	sne.s32 s21, $0x1  }
.Ltmp5:
0x5a: {  	v2 =	vld [tilespmem:s18+$0xFFFFFFF0];
	s20 =	sand.u32 $0x3F80, s19;
	(pc) =	sbr.rel @!p1 .LBB1_6-.Ltmp5, $4  }
0x5b: {  	v3 =	vld [tilespmem:s18+$0x0];
	[tilespmem:v0+s20+$0x70 ss:$0x1] =	vst.idx.msk $0xffff, v1  }
0x5c: {  	v5 =	vld [tilespmem:s18+$0x10];
	[tilespmem:v0+s20+$0x0 ss:$0x1] =	vst.idx.msk $0xffff, v4  }
0x5d: {  	v4 =	vld [tilespmem:s18+$0x20];
	[tilespmem:v0+s20+$0x10 ss:$0x1] =	vst.idx.msk $0xffff, v6;
	s18 =	sadd.s32 $0x80, s18  }
0x5e: {  	s22 =	sadd.s32 $0xFFFFFFFF, s21;
	p0 =	por $0x1, $0x1;
	s21 =	simm.s32 $0x0;
	[tilespmem:v0+s20+$0x20 ss:$0x1] =	vst.idx.msk $0xffff, v7;
	v1 =	vld [tilespmem:s18+$0x30]  }
.LBB1_7:
0x5f: {  	p1 =	sne.s32 s22, $0x1;
	v6 =	vld [tilespmem:s18+$0xFFFFFFC0];
	[tilespmem:v0+s20+$0x30 ss:$0x1] =	vst.idx.msk $0xffff, v2  }
0x60: {  	v7 =	vld [tilespmem:s18+$0xFFFFFFD0];
	[tilespmem:v0+s20+$0x40 ss:$0x1] =	vst.idx.msk $0xffff, v3  }
0x61: {  	s21 =	sadd.s32 $0x80, s21;
	v8 =	vld [tilespmem:s18+$0xFFFFFFE0];
	[tilespmem:v0+s20+$0x50 ss:$0x1] =	vst.idx.msk $0xffff, v5  }
.Ltmp6:
0x62: {  	v2 =	vld [tilespmem:s18+$0xFFFFFFF0];
	[tilespmem:v0+s20+$0x60 ss:$0x1] =	vst.idx.msk $0xffff, v4;
	s20 =	sand.u32 $0x3F80, s21;
	(pc) =	sbr.rel @p1 .LBB1_7-.Ltmp6, $4  }
0x63: {  	v3 =	vld [tilespmem:s18+$0x0];
	[tilespmem:v0+s20+$0x70 ss:$0x1] =	vst.idx.msk $0xffff, v1  }
0x64: {  	[tilespmem:v0+s20+$0x0 ss:$0x1] =	vst.idx.msk $0xffff, v6;
	v5 =	vld [tilespmem:s18+$0x10]  }
0x65: {  	[tilespmem:v0+s20+$0x10 ss:$0x1] =	vst.idx.msk $0xffff, v7;
	v4 =	vld [tilespmem:s18+$0x20];
	s18 =	sadd.s32 $0x80, s18  }
0x66: {  	s22 =	sadd.s32 $0xFFFFFFFF, s22;
	v1 =	vld [tilespmem:s18+$0x30];
	[tilespmem:v0+s20+$0x20 ss:$0x1] =	vst.idx.msk $0xffff, v8  }
.Ltmp7:
0x67: {  	_ = 	snop;
	(pc) =	sbr.rel .LBB1_8-.Ltmp7, $1  }
0x68: {  	_ =	sdelay $0x3  }
.LBB1_6:
.Ltmp8:
0x69: {  	(pc) =	sbr.rel .LBB1_8-.Ltmp8, $2  }
0x6a: {  	_ =	sdelay $0x2  }
0x6b: {  	s21 =	simm.s32 $0x0  }
.LBB1_11:
0x6c: {  	_ =	sfence.sel $0x180000  }
0x6d: {  	s2 =	simm.s32 $0x1;
	[bflag:$0x0] =	sbarrier.arrive $0xFFFF  }
0x6e: {  	s31 =	simm.s32 $0x2;
	[sflag:s2] =	ssyncpa.u1 $0x1  }
0x6f: {  	[sflag:s31] =	ssyncpa.u1 $0x1  }
0x70: {  	p0 =	sne.s32 s0, $0x0;
	_ =	strace $0x90000047  }
0x71: {  	s0 =	sadd.s32 @!p0 $0x100000, s1;
	[bflag:$0x2] =	sbarrier.arrive $0xFFFF  }
0x72: {  	[sflag:s0] =	ssyncadd.tile.s32 @!p0 $0x1;
	_ =	shalt  }
.Lfunc_end1:
_tile_overlayer_lowered:
.L_overlay_start_2:
0x73: {  	(tag) =	ssettag $0x2  }
0x74: {  	s0 =	rddreg [dreg:$0x0];
	s2 =	stileid.u32  }
0x75: {  	s1 =	rddreg [dreg:$0x1];
	p0 =	sne.s32 s2, $0x0  }
0x76: {  	s3 =	rddreg [dreg:$0x2];
	[bflag:$0x3] =	sbarrier.arrive $0xFFFF;
	s2 =	simm.s32 @!p0 $0x1C01  }
0x77: {  	[timem:s3], [sflag:s2] =	dma.local @!p0 [hbm:s0], s1  }
0x78: {  	s0 =	simm.s32 @!p0 $0x1  }
0x79: {  	_ =	swait.ge @!p0 [sflag:s0], s1  }
0x7a: {  	s1 =	ssub.s32 @!p0 $0x0, s1;
	[sflag:s0] =	ssyncset.done @!p0 $0x0  }
0x7b: {  	[sflag:s0] =	ssyncadd.s32 @!p0 s1  }
0x7c: {  	[bflag:$0x3] =	sbarrier.arrive $0xFFFF  }
0x7d: {  	_ =	shalt  }

</sc_bundles>
